<compile_context>
chip_gen: v7x
topology: tpu7x:2x2x1
jax: 0.10.2.dev20260603
libtpu: 0.0.44.dev20260713+nightly
codegen_flags: <defaults>
</compile_context>

<pallas_src>
import functools

import jax
import jax.numpy as jnp
from jax import lax
from jax.experimental import pallas as pl
from jax.experimental.pallas import tpu as pltpu
from jax.experimental.pallas import tpu_sc as plsc

B, S, D = 1024, 200, 512
DH = D // 2
K = 40
NSPLIT = 1
BCH = B // NSPLIT

_INFO = plsc.get_sparse_core_info()
NC, NS = _INFO.num_cores, _INFO.num_subcores
NW = NC * NS
TPT = BCH * S // NW
NCHUNK = TPT // K


def _gather_body(ids_ref, tab_ref, out_ref, ids_v,
                 b0, b1, b2, b3, b4, b5, b6, b7,
                 gs0, gs1, gs2, gs3, gs4, gs5, gs6, gs7,
                 os0, os1, os2, os3, os4, os5, os6, os7):
    wid = lax.axis_index("s") * NC + lax.axis_index("c")
    base = wid * TPT
    bufs = (b0, b1, b2, b3, b4, b5, b6, b7)
    gsems = (gs0, gs1, gs2, gs3, gs4, gs5, gs6, gs7)
    osems = (os0, os1, os2, os3, os4, os5, os6, os7)

    pltpu.sync_copy(ids_ref.at[wid], ids_v)

    pltpu.async_copy(tab_ref.at[ids_v.at[0]], b0, gs0)
    pltpu.async_copy(tab_ref.at[ids_v.at[1]], b1, gs1)
    pltpu.async_copy(tab_ref.at[ids_v.at[2]], b2, gs2)

    def outer(q, carry):
        for k in range(8):
            c = q * 8 + k
            s2 = (k + 3) & 7

            @pl.when(c >= 5)
            def _():
                pltpu.make_async_copy(
                    bufs[s2], out_ref.at[pl.ds(0, K)], osems[s2]).wait()

            @pl.when(c + 3 < NCHUNK)
            def _():
                pltpu.async_copy(tab_ref.at[ids_v.at[c + 3]],
                                 bufs[s2], gsems[s2])

            pltpu.make_async_copy(tab_ref.at[ids_v.at[c]],
                                  bufs[k], gsems[k]).wait()
            pltpu.async_copy(bufs[k], out_ref.at[pl.ds(base + c * K, K)],
                             osems[k])
        return carry

    lax.fori_loop(0, NCHUNK // 8, outer, 0)

    for c in range(NCHUNK - 5, NCHUNK):
        pltpu.make_async_copy(bufs[c & 7], out_ref.at[pl.ds(0, K)],
                              osems[c & 7]).wait()


def _sc_gather(ids_r, tab_packed):
    return pl.kernel(
        _gather_body,
        mesh=plsc.VectorSubcoreMesh(core_axis_name="c", subcore_axis_name="s"),
        out_type=jax.ShapeDtypeStruct((BCH * S, DH), jnp.int32),
        scratch_types=(
            [pltpu.VMEM((NCHUNK, K), jnp.int32)]
            + [pltpu.VMEM((K, DH), jnp.int32)] * 8
            + [pltpu.SemaphoreType.DMA] * 16
        ),
    )(ids_r, tab_packed)


def _ln_body(pos_ref, w_ref, b_ref, tok_ref, o_ref):
    w32 = tok_ref[...]
    xlo = lax.bitcast_convert_type(w32 << 16, jnp.float32)
    xhi = lax.bitcast_convert_type(w32 & jnp.int32(-65536), jnp.float32)
    pos = pos_ref[...]
    xlo = xlo + pos[:, :, :DH]
    xhi = xhi + pos[:, :, DH:]
    s = (jnp.sum(xlo, -1, keepdims=True)
         + jnp.sum(xhi, -1, keepdims=True))
    ss = (jnp.sum(xlo * xlo, -1, keepdims=True)
          + jnp.sum(xhi * xhi, -1, keepdims=True))
    mean = s * (1.0 / D)
    var = ss * (1.0 / D) - mean * mean
    r = lax.rsqrt(var + 1e-5)
    wv = w_ref[...]
    bv = b_ref[...]
    o_ref[:, :, :DH] = (xlo - mean) * r * wv[:, :, :DH] + bv[:, :, :DH]
    o_ref[:, :, DH:] = (xhi - mean) * r * wv[:, :, DH:] + bv[:, :, DH:]


def _tc_layernorm(pos3, w3, b3, tok):
    BB = 16
    return pl.pallas_call(
        _ln_body,
        grid=(BCH // BB,),
        in_specs=[
            pl.BlockSpec((1, S, D), lambda i: (0, 0, 0)),
            pl.BlockSpec((1, 1, D), lambda i: (0, 0, 0)),
            pl.BlockSpec((1, 1, D), lambda i: (0, 0, 0)),
            pl.BlockSpec((BB, S, DH), lambda i: (i, 0, 0)),
        ],
        out_specs=pl.BlockSpec((BB, S, D), lambda i: (i, 0, 0)),
        out_shape=jax.ShapeDtypeStruct((BCH, S, D), jnp.float32),
    )(pos3, w3, b3, tok)


def kernel(input_ids, embedding_table, position_table, ln_weight, ln_bias):
    bits = lax.bitcast_convert_type(embedding_table, jnp.int32)
    rnd = bits + jnp.int32(0x7FFF) + ((bits >> 16) & 1)
    lo = lax.shift_right_logical(rnd[:, :DH], 16)
    hi = rnd[:, DH:] & jnp.int32(-65536)
    tab_packed = lo | hi

    ids = input_ids.astype(jnp.int32)
    pos3 = position_table[:S].reshape(1, S, D)
    w3 = ln_weight.reshape(1, 1, D)
    b3 = ln_bias.reshape(1, 1, D)

    ids_r = ids.reshape(NW, NCHUNK, K)
    tok = _sc_gather(ids_r, tab_packed).reshape(B, S, DH)
    return _tc_layernorm(pos3, w3, b3, tok)

# --- scband reference (transcript-rebuilt; emitter-appended) ---
"""Pipeline reference for scband-semantic-encoder-11201274708076 (READ-ONLY COPY).

The authoritative reference and input builder live on the scoring server;
editing this copy changes nothing except your own understanding.
"""

import jax, jax.numpy as jnp
import numpy as np

VOCAB = 50265
DIM = 512
MAX_POS = 514
B = 1024
S = 200


def setup_inputs(seed: int = 0) -> dict:
    key = jax.random.key(seed)
    k1, k2, k3 = jax.random.split(key, 3)
    input_ids = jax.random.randint(k1, (B, S), 0, VOCAB)
    embedding_table = jax.random.normal(k2, (VOCAB, DIM), dtype=jnp.float32) * 0.02
    # padding_idx=1 row is zero in torch nn.Embedding(padding_idx=1)
    embedding_table = embedding_table.at[1].set(0.0)
    position_table = jax.random.normal(k3, (MAX_POS, DIM), dtype=jnp.float32) * 0.02
    ln_weight = jnp.ones((DIM,), dtype=jnp.float32)
    ln_bias = jnp.zeros((DIM,), dtype=jnp.float32)
    return {
        "input_ids": input_ids,
        "embedding_table": embedding_table,
        "position_table": position_table,
        "ln_weight": ln_weight,
        "ln_bias": ln_bias,
    }


def reference(input_ids, embedding_table, position_table, ln_weight, ln_bias):
    seq_len = input_ids.shape[1]
    positions = jnp.arange(seq_len)
    # token embedding gather + position embedding gather (broadcast over batch)
    x = jnp.take(embedding_table, input_ids, axis=0) + jnp.take(position_table, positions, axis=0)[None, :, :]
    # LayerNorm over last dim, eps=1e-5 (torch default)
    mean = jnp.mean(x, axis=-1, keepdims=True)
    var = jnp.var(x, axis=-1, keepdims=True)
    y = (x - mean) / jnp.sqrt(var + 1e-5) * ln_weight + ln_bias
    # dropout(p=0.1) is identity in eval mode
    return y

if __name__ == "__main__":
    import jax
    _d = setup_inputs()
    print(jax.jit(kernel)(*tuple(_d.values())))

</pallas_src>

<mosaic_0001>
#map = affine_map<(d0, d1) -> (0, 0, 0)>
#map1 = affine_map<(d0, d1) -> (0, 0)>
module attributes {stable_mosaic.version = 14 : i64} {
  func.func @_gather_body(%arg0: i32, %arg1: i32, %arg2: memref<32x160x40xi32, #tpu.memory_space<hbm>>, %arg3: memref<50265x256xi32, #tpu.memory_space<hbm>>, %arg4: memref<204800x256xi32, #tpu.memory_space<hbm>>, %arg5: memref<160x40xi32, #tpu.memory_space<vmem>>, %arg6: memref<40x256xi32, #tpu.memory_space<vmem>>, %arg7: memref<40x256xi32, #tpu.memory_space<vmem>>, %arg8: memref<40x256xi32, #tpu.memory_space<vmem>>, %arg9: memref<40x256xi32, #tpu.memory_space<vmem>>, %arg10: memref<40x256xi32, #tpu.memory_space<vmem>>, %arg11: memref<40x256xi32, #tpu.memory_space<vmem>>, %arg12: memref<40x256xi32, #tpu.memory_space<vmem>>, %arg13: memref<40x256xi32, #tpu.memory_space<vmem>>, %arg14: memref<!tpu.dma_semaphore, #tpu.memory_space<semaphore_mem>>, %arg15: memref<!tpu.dma_semaphore, #tpu.memory_space<semaphore_mem>>, %arg16: memref<!tpu.dma_semaphore, #tpu.memory_space<semaphore_mem>>, %arg17: memref<!tpu.dma_semaphore, #tpu.memory_space<semaphore_mem>>, %arg18: memref<!tpu.dma_semaphore, #tpu.memory_space<semaphore_mem>>, %arg19: memref<!tpu.dma_semaphore, #tpu.memory_space<semaphore_mem>>, %arg20: memref<!tpu.dma_semaphore, #tpu.memory_space<semaphore_mem>>, %arg21: memref<!tpu.dma_semaphore, #tpu.memory_space<semaphore_mem>>, %arg22: memref<!tpu.dma_semaphore, #tpu.memory_space<semaphore_mem>>, %arg23: memref<!tpu.dma_semaphore, #tpu.memory_space<semaphore_mem>>, %arg24: memref<!tpu.dma_semaphore, #tpu.memory_space<semaphore_mem>>, %arg25: memref<!tpu.dma_semaphore, #tpu.memory_space<semaphore_mem>>, %arg26: memref<!tpu.dma_semaphore, #tpu.memory_space<semaphore_mem>>, %arg27: memref<!tpu.dma_semaphore, #tpu.memory_space<semaphore_mem>>, %arg28: memref<!tpu.dma_semaphore, #tpu.memory_space<semaphore_mem>>, %arg29: memref<!tpu.dma_semaphore, #tpu.memory_space<semaphore_mem>>) attributes {dimension_semantics = [#tpu.dimension_semantics<core_parallel>, #tpu.dimension_semantics<subcore_parallel>], iteration_bounds = array<i64: 2, 16>, scalar_prefetch = 0 : i64, scratch_operands = 25 : i64, tpu.core_type = #tpu.core_type<sc_vector_subcore>, window_params = [{transform_indices = #map}, {transform_indices = #map1}, {transform_indices = #map1}]} {
    %mul3A = arith.constant 2 : i32
    %mul3A_0 = arith.muli %arg1, %mul3A : i32
    %add3A = arith.addi %mul3A_0, %arg0 : i32
    %mul3A_1 = arith.constant 6400 : i32
    %mul3A_2 = arith.muli %add3A, %mul3A_1 : i32
    "tpu.region"() ({
      %run_scoped3A = tpu.sem_alloc : memref<!tpu.dma_semaphore, #tpu.memory_space<semaphore_mem>>
      %dma_start3A_57 = arith.constant 0 : i32
      %dma_start3A_58 = arith.constant 0 : i32
      %dma_start3A_59 = tpu.memref_slice %arg2[%add3A, %dma_start3A_57, %dma_start3A_58] : memref<32x160x40xi32, #tpu.memory_space<hbm>> -> memref<1x160x40xi32, #tpu.memory_space<hbm>>
      %dma_start3A_60 = tpu.memref_squeeze %dma_start3A_59 : memref<1x160x40xi32, #tpu.memory_space<hbm>> -> memref<160x40xi32, #tpu.memory_space<hbm>>
      %dma_start3A_61 = arith.constant 0 : i32
      %dma_start3A_62 = arith.constant 0 : i32
      %dma_start3A_63 = tpu.memref_slice %arg2[%add3A, %dma_start3A_61, %dma_start3A_62] : memref<32x160x40xi32, #tpu.memory_space<hbm>> -> memref<1x160x40xi32, #tpu.memory_space<hbm>>
      %dma_start3A_64 = tpu.memref_squeeze %dma_start3A_63 : memref<1x160x40xi32, #tpu.memory_space<hbm>> -> memref<160x40xi32, #tpu.memory_space<hbm>>
      tpu.enqueue_dma source(%dma_start3A_64 : memref<160x40xi32, #tpu.memory_space<hbm>>) target(%arg5 : memref<160x40xi32, #tpu.memory_space<vmem>>) target_semaphore(%run_scoped3A : memref<!tpu.dma_semaphore, #tpu.memory_space<semaphore_mem>>)
      %dma_wait3A_65 = arith.constant 0 : i32
      %dma_wait3A_66 = arith.constant 0 : i32
      %dma_wait3A_67 = tpu.memref_slice %arg2[%add3A, %dma_wait3A_65, %dma_wait3A_66] : memref<32x160x40xi32, #tpu.memory_space<hbm>> -> memref<1x160x40xi32, #tpu.memory_space<hbm>>
      %dma_wait3A_68 = tpu.memref_squeeze %dma_wait3A_67 : memref<1x160x40xi32, #tpu.memory_space<hbm>> -> memref<160x40xi32, #tpu.memory_space<hbm>>
      %dma_wait3A_69 = arith.constant 0 : i32
      %dma_wait3A_70 = arith.constant 0 : i32
      %dma_wait3A_71 = tpu.memref_slice %arg2[%add3A, %dma_wait3A_69, %dma_wait3A_70] : memref<32x160x40xi32, #tpu.memory_space<hbm>> -> memref<1x160x40xi32, #tpu.memory_space<hbm>>
      %dma_wait3A_72 = tpu.memref_squeeze %dma_wait3A_71 : memref<1x160x40xi32, #tpu.memory_space<hbm>> -> memref<160x40xi32, #tpu.memory_space<hbm>>
      tpu.wait_dma2 semaphore(%run_scoped3A : memref<!tpu.dma_semaphore, #tpu.memory_space<semaphore_mem>>) src(%dma_wait3A_72 : memref<160x40xi32, #tpu.memory_space<hbm>>) dst(%arg5 : memref<160x40xi32, #tpu.memory_space<vmem>>)
      tpu.yield
    }) : () -> ()
    %dma_start3A = arith.constant 0 : i32
    %dma_start3A_3 = arith.constant 0 : i32
    %dma_start3A_4 = tpu.memref_slice %arg5[%dma_start3A, %dma_start3A_3] : memref<160x40xi32, #tpu.memory_space<vmem>> -> memref<1x40xi32, #tpu.memory_space<vmem>>
    %dma_start3A_5 = tpu.memref_squeeze %dma_start3A_4 : memref<1x40xi32, #tpu.memory_space<vmem>> -> memref<40xi32, #tpu.memory_space<vmem>>
    %dma_start3A_6 = arith.constant 0 : i32
    %dma_start3A_7 = arith.constant 0 : i32
    %dma_start3A_8 = tpu.memref_slice %arg3[%dma_start3A_6, %dma_start3A_7] : memref<50265x256xi32, #tpu.memory_space<hbm>> -> memref<50265x256xi32, #tpu.memory_space<hbm>>
    tpu.enqueue_indirect_dma source(%dma_start3A_8 : memref<50265x256xi32, #tpu.memory_space<hbm>>) target(%arg6 : memref<40x256xi32, #tpu.memory_space<vmem>>) offsets(%dma_start3A_5 : memref<40xi32, #tpu.memory_space<vmem>>) semaphore(%arg14 : memref<!tpu.dma_semaphore, #tpu.memory_space<semaphore_mem>>)
    %dma_start3A_9 = arith.constant 1 : i32
    %dma_start3A_10 = arith.constant 0 : i32
    %dma_start3A_11 = tpu.memref_slice %arg5[%dma_start3A_9, %dma_start3A_10] : memref<160x40xi32, #tpu.memory_space<vmem>> -> memref<1x40xi32, #tpu.memory_space<vmem>>
    %dma_start3A_12 = tpu.memref_squeeze %dma_start3A_11 : memref<1x40xi32, #tpu.memory_space<vmem>> -> memref<40xi32, #tpu.memory_space<vmem>>
    %dma_start3A_13 = arith.constant 0 : i32
    %dma_start3A_14 = arith.constant 0 : i32
    %dma_start3A_15 = tpu.memref_slice %arg3[%dma_start3A_13, %dma_start3A_14] : memref<50265x256xi32, #tpu.memory_space<hbm>> -> memref<50265x256xi32, #tpu.memory_space<hbm>>
    tpu.enqueue_indirect_dma source(%dma_start3A_15 : memref<50265x256xi32, #tpu.memory_space<hbm>>) target(%arg7 : memref<40x256xi32, #tpu.memory_space<vmem>>) offsets(%dma_start3A_12 : memref<40xi32, #tpu.memory_space<vmem>>) semaphore(%arg15 : memref<!tpu.dma_semaphore, #tpu.memory_space<semaphore_mem>>)
    %dma_start3A_16 = arith.constant 2 : i32
    %dma_start3A_17 = arith.constant 0 : i32
    %dma_start3A_18 = tpu.memref_slice %arg5[%dma_start3A_16, %dma_start3A_17] : memref<160x40xi32, #tpu.memory_space<vmem>> -> memref<1x40xi32, #tpu.memory_space<vmem>>
    %dma_start3A_19 = tpu.memref_squeeze %dma_start3A_18 : memref<1x40xi32, #tpu.memory_space<vmem>> -> memref<40xi32, #tpu.memory_space<vmem>>
    %dma_start3A_20 = arith.constant 0 : i32
    %dma_start3A_21 = arith.constant 0 : i32
    %dma_start3A_22 = tpu.memref_slice %arg3[%dma_start3A_20, %dma_start3A_21] : memref<50265x256xi32, #tpu.memory_space<hbm>> -> memref<50265x256xi32, #tpu.memory_space<hbm>>
    tpu.enqueue_indirect_dma source(%dma_start3A_22 : memref<50265x256xi32, #tpu.memory_space<hbm>>) target(%arg8 : memref<40x256xi32, #tpu.memory_space<vmem>>) offsets(%dma_start3A_19 : memref<40xi32, #tpu.memory_space<vmem>>) semaphore(%arg16 : memref<!tpu.dma_semaphore, #tpu.memory_space<semaphore_mem>>)
    %scan3A = arith.constant 0 : i32
    %scan3A_23 = arith.constant 0 : i32
    %scan3A_24 = arith.constant 20 : i32
    %scan3A_25 = arith.addi %scan3A_23, %scan3A_24 : i32
    %scan3A_26 = arith.constant 1 : i32
    scf.for %scan3A_57 = %scan3A_23 to %scan3A_25 step %scan3A_26  : i32 {
      %mul3A_58 = arith.constant 8 : i32
      %mul3A_59 = arith.muli %scan3A_57, %mul3A_58 : i32
      %add3A_60 = arith.constant 0 : i32
      %add3A_61 = arith.addi %mul3A_59, %add3A_60 : i32
      %ge3A = arith.constant 5 : i32
      %ge3A_62 = arith.cmpi sge, %add3A_61, %ge3A : i32
      %convert_element_type3A = arith.extui %ge3A_62 : i1 to i32
      %cond3A = arith.constant 0 : i32
      %cond3A_63 = arith.cmpi ne, %convert_element_type3A, %cond3A : i32
      scf.if %cond3A_63 {
        %dma_wait3A_286 = arith.constant 0 : i32
        %dma_wait3A_287 = arith.constant 0 : i32
        %dma_wait3A_288 = tpu.memref_slice %arg4[%dma_wait3A_286, %dma_wait3A_287] : memref<204800x256xi32, #tpu.memory_space<hbm>> -> memref<40x256xi32, #tpu.memory_space<hbm>>
        %dma_wait3A_289 = arith.constant 0 : i32
        %dma_wait3A_290 = arith.constant 0 : i32
        %dma_wait3A_291 = tpu.memref_slice %arg4[%dma_wait3A_289, %dma_wait3A_290] : memref<204800x256xi32, #tpu.memory_space<hbm>> -> memref<40x256xi32, #tpu.memory_space<hbm>>
        tpu.wait_dma2 semaphore(%arg25 : memref<!tpu.dma_semaphore, #tpu.memory_space<semaphore_mem>>) src(%arg9 : memref<40x256xi32, #tpu.memory_space<vmem>>) dst(%dma_wait3A_291 : memref<40x256xi32, #tpu.memory_space<hbm>>)
      } else {
      }
      %add3A_64 = arith.constant 3 : i32
      %add3A_65 = arith.addi %add3A_61, %add3A_64 : i32
      %lt3A = arith.constant 160 : i32
      %lt3A_66 = arith.cmpi slt, %add3A_65, %lt3A : i32
      %convert_element_type3A_67 = arith.extui %lt3A_66 : i1 to i32
      %cond3A_68 = arith.constant 0 : i32
      %cond3A_69 = arith.cmpi ne, %convert_element_type3A_67, %cond3A_68 : i32
      scf.if %cond3A_69 {
        %add3A_286 = arith.constant 3 : i32
        %add3A_287 = arith.addi %add3A_61, %add3A_286 : i32
        %dma_start3A_288 = arith.constant 0 : i32
        %dma_start3A_289 = tpu.memref_slice %arg5[%add3A_287, %dma_start3A_288] : memref<160x40xi32, #tpu.memory_space<vmem>> -> memref<1x40xi32, #tpu.memory_space<vmem>>
        %dma_start3A_290 = tpu.memref_squeeze %dma_start3A_289 : memref<1x40xi32, #tpu.memory_space<vmem>> -> memref<40xi32, #tpu.memory_space<vmem>>
        %dma_start3A_291 = arith.constant 0 : i32
        %dma_start3A_292 = arith.constant 0 : i32
        %dma_start3A_293 = tpu.memref_slice %arg3[%dma_start3A_291, %dma_start3A_292] : memref<50265x256xi32, #tpu.memory_space<hbm>> -> memref<50265x256xi32, #tpu.memory_space<hbm>>
        tpu.enqueue_indirect_dma source(%dma_start3A_293 : memref<50265x256xi32, #tpu.memory_space<hbm>>) target(%arg9 : memref<40x256xi32, #tpu.memory_space<vmem>>) offsets(%dma_start3A_290 : memref<40xi32, #tpu.memory_space<vmem>>) semaphore(%arg17 : memref<!tpu.dma_semaphore, #tpu.memory_space<semaphore_mem>>)
      } else {
      }
      %dma_wait3A_70 = arith.constant 0 : i32
      %dma_wait3A_71 = tpu.memref_slice %arg5[%add3A_61, %dma_wait3A_70] : memref<160x40xi32, #tpu.memory_space<vmem>> -> memref<1x40xi32, #tpu.memory_space<vmem>>
      %dma_wait3A_72 = tpu.memref_squeeze %dma_wait3A_71 : memref<1x40xi32, #tpu.memory_space<vmem>> -> memref<40xi32, #tpu.memory_space<vmem>>
      %dma_wait3A_73 = arith.constant 0 : i32
      %dma_wait3A_74 = arith.constant 0 : i32
      %dma_wait3A_75 = tpu.memref_slice %arg3[%dma_wait3A_73, %dma_wait3A_74] : memref<50265x256xi32, #tpu.memory_space<hbm>> -> memref<50265x256xi32, #tpu.memory_space<hbm>>
      tpu.wait_indirect_dma semaphore(%arg14 : memref<!tpu.dma_semaphore, #tpu.memory_space<semaphore_mem>>) src(%dma_wait3A_75 : memref<50265x256xi32, #tpu.memory_space<hbm>>) dst(%arg6 : memref<40x256xi32, #tpu.memory_space<vmem>>)
      %mul3A_76 = arith.constant 40 : i32
      %mul3A_77 = arith.muli %add3A_61, %mul3A_76 : i32
      %add3A_78 = arith.addi %mul3A_2, %mul3A_77 : i32
      %dma_start3A_79 = arith.constant 0 : i32
      %dma_start3A_80 = tpu.memref_slice %arg4[%add3A_78, %dma_start3A_79] : memref<204800x256xi32, #tpu.memory_space<hbm>> -> memref<40x256xi32, #tpu.memory_space<hbm>>
      %dma_start3A_81 = arith.constant 0 : i32
      %dma_start3A_82 = tpu.memref_slice %arg4[%add3A_78, %dma_start3A_81] : memref<204800x256xi32, #tpu.memory_space<hbm>> -> memref<40x256xi32, #tpu.memory_space<hbm>>
      tpu.enqueue_dma source(%arg6 : memref<40x256xi32, #tpu.memory_space<vmem>>) target(%dma_start3A_82 : memref<40x256xi32, #tpu.memory_space<hbm>>) target_semaphore(%arg22 : memref<!tpu.dma_semaphore, #tpu.memory_space<semaphore_mem>>)
      %mul3A_83 = arith.constant 8 : i32
      %mul3A_84 = arith.muli %scan3A_57, %mul3A_83 : i32
      %add3A_85 = arith.constant 1 : i32
      %add3A_86 = arith.addi %mul3A_84, %add3A_85 : i32
      %ge3A_87 = arith.constant 5 : i32
      %ge3A_88 = arith.cmpi sge, %add3A_86, %ge3A_87 : i32
      %convert_element_type3A_89 = arith.extui %ge3A_88 : i1 to i32
      %cond3A_90 = arith.constant 0 : i32
      %cond3A_91 = arith.cmpi ne, %convert_element_type3A_89, %cond3A_90 : i32
      scf.if %cond3A_91 {
        %dma_wait3A_286 = arith.constant 0 : i32
        %dma_wait3A_287 = arith.constant 0 : i32
        %dma_wait3A_288 = tpu.memref_slice %arg4[%dma_wait3A_286, %dma_wait3A_287] : memref<204800x256xi32, #tpu.memory_space<hbm>> -> memref<40x256xi32, #tpu.memory_space<hbm>>
        %dma_wait3A_289 = arith.constant 0 : i32
        %dma_wait3A_290 = arith.constant 0 : i32
        %dma_wait3A_291 = tpu.memref_slice %arg4[%dma_wait3A_289, %dma_wait3A_290] : memref<204800x256xi32, #tpu.memory_space<hbm>> -> memref<40x256xi32, #tpu.memory_space<hbm>>
        tpu.wait_dma2 semaphore(%arg26 : memref<!tpu.dma_semaphore, #tpu.memory_space<semaphore_mem>>) src(%arg10 : memref<40x256xi32, #tpu.memory_space<vmem>>) dst(%dma_wait3A_291 : memref<40x256xi32, #tpu.memory_space<hbm>>)
      } else {
      }
      %add3A_92 = arith.constant 3 : i32
      %add3A_93 = arith.addi %add3A_86, %add3A_92 : i32
      %lt3A_94 = arith.constant 160 : i32
      %lt3A_95 = arith.cmpi slt, %add3A_93, %lt3A_94 : i32
      %convert_element_type3A_96 = arith.extui %lt3A_95 : i1 to i32
      %cond3A_97 = arith.constant 0 : i32
      %cond3A_98 = arith.cmpi ne, %convert_element_type3A_96, %cond3A_97 : i32
      scf.if %cond3A_98 {
        %add3A_286 = arith.constant 3 : i32
        %add3A_287 = arith.addi %add3A_86, %add3A_286 : i32
        %dma_start3A_288 = arith.constant 0 : i32
        %dma_start3A_289 = tpu.memref_slice %arg5[%add3A_287, %dma_start3A_288] : memref<160x40xi32, #tpu.memory_space<vmem>> -> memref<1x40xi32, #tpu.memory_space<vmem>>
        %dma_start3A_290 = tpu.memref_squeeze %dma_start3A_289 : memref<1x40xi32, #tpu.memory_space<vmem>> -> memref<40xi32, #tpu.memory_space<vmem>>
        %dma_start3A_291 = arith.constant 0 : i32
        %dma_start3A_292 = arith.constant 0 : i32
        %dma_start3A_293 = tpu.memref_slice %arg3[%dma_start3A_291, %dma_start3A_292] : memref<50265x256xi32, #tpu.memory_space<hbm>> -> memref<50265x256xi32, #tpu.memory_space<hbm>>
        tpu.enqueue_indirect_dma source(%dma_start3A_293 : memref<50265x256xi32, #tpu.memory_space<hbm>>) target(%arg10 : memref<40x256xi32, #tpu.memory_space<vmem>>) offsets(%dma_start3A_290 : memref<40xi32, #tpu.memory_space<vmem>>) semaphore(%arg18 : memref<!tpu.dma_semaphore, #tpu.memory_space<semaphore_mem>>)
      } else {
      }
      %dma_wait3A_99 = arith.constant 0 : i32
      %dma_wait3A_100 = tpu.memref_slice %arg5[%add3A_86, %dma_wait3A_99] : memref<160x40xi32, #tpu.memory_space<vmem>> -> memref<1x40xi32, #tpu.memory_space<vmem>>
      %dma_wait3A_101 = tpu.memref_squeeze %dma_wait3A_100 : memref<1x40xi32, #tpu.memory_space<vmem>> -> memref<40xi32, #tpu.memory_space<vmem>>
      %dma_wait3A_102 = arith.constant 0 : i32
      %dma_wait3A_103 = arith.constant 0 : i32
      %dma_wait3A_104 = tpu.memref_slice %arg3[%dma_wait3A_102, %dma_wait3A_103] : memref<50265x256xi32, #tpu.memory_space<hbm>> -> memref<50265x256xi32, #tpu.memory_space<hbm>>
      tpu.wait_indirect_dma semaphore(%arg15 : memref<!tpu.dma_semaphore, #tpu.memory_space<semaphore_mem>>) src(%dma_wait3A_104 : memref<50265x256xi32, #tpu.memory_space<hbm>>) dst(%arg7 : memref<40x256xi32, #tpu.memory_space<vmem>>)
      %mul3A_105 = arith.constant 40 : i32
      %mul3A_106 = arith.muli %add3A_86, %mul3A_105 : i32
      %add3A_107 = arith.addi %mul3A_2, %mul3A_106 : i32
      %dma_start3A_108 = arith.constant 0 : i32
      %dma_start3A_109 = tpu.memref_slice %arg4[%add3A_107, %dma_start3A_108] : memref<204800x256xi32, #tpu.memory_space<hbm>> -> memref<40x256xi32, #tpu.memory_space<hbm>>
      %dma_start3A_110 = arith.constant 0 : i32
      %dma_start3A_111 = tpu.memref_slice %arg4[%add3A_107, %dma_start3A_110] : memref<204800x256xi32, #tpu.memory_space<hbm>> -> memref<40x256xi32, #tpu.memory_space<hbm>>
      tpu.enqueue_dma source(%arg7 : memref<40x256xi32, #tpu.memory_space<vmem>>) target(%dma_start3A_111 : memref<40x256xi32, #tpu.memory_space<hbm>>) target_semaphore(%arg23 : memref<!tpu.dma_semaphore, #tpu.memory_space<semaphore_mem>>)
      %mul3A_112 = arith.constant 8 : i32
      %mul3A_113 = arith.muli %scan3A_57, %mul3A_112 : i32
      %add3A_114 = arith.constant 2 : i32
      %add3A_115 = arith.addi %mul3A_113, %add3A_114 : i32
      %ge3A_116 = arith.constant 5 : i32
      %ge3A_117 = arith.cmpi sge, %add3A_115, %ge3A_116 : i32
      %convert_element_type3A_118 = arith.extui %ge3A_117 : i1 to i32
      %cond3A_119 = arith.constant 0 : i32
      %cond3A_120 = arith.cmpi ne, %convert_element_type3A_118, %cond3A_119 : i32
      scf.if %cond3A_120 {
        %dma_wait3A_286 = arith.constant 0 : i32
        %dma_wait3A_287 = arith.constant 0 : i32
        %dma_wait3A_288 = tpu.memref_slice %arg4[%dma_wait3A_286, %dma_wait3A_287] : memref<204800x256xi32, #tpu.memory_space<hbm>> -> memref<40x256xi32, #tpu.memory_space<hbm>>
        %dma_wait3A_289 = arith.constant 0 : i32
        %dma_wait3A_290 = arith.constant 0 : i32
        %dma_wait3A_291 = tpu.memref_slice %arg4[%dma_wait3A_289, %dma_wait3A_290] : memref<204800x256xi32, #tpu.memory_space<hbm>> -> memref<40x256xi32, #tpu.memory_space<hbm>>
        tpu.wait_dma2 semaphore(%arg27 : memref<!tpu.dma_semaphore, #tpu.memory_space<semaphore_mem>>) src(%arg11 : memref<40x256xi32, #tpu.memory_space<vmem>>) dst(%dma_wait3A_291 : memref<40x256xi32, #tpu.memory_space<hbm>>)
      } else {
      }
      %add3A_121 = arith.constant 3 : i32
      %add3A_122 = arith.addi %add3A_115, %add3A_121 : i32
      %lt3A_123 = arith.constant 160 : i32
      %lt3A_124 = arith.cmpi slt, %add3A_122, %lt3A_123 : i32
      %convert_element_type3A_125 = arith.extui %lt3A_124 : i1 to i32
      %cond3A_126 = arith.constant 0 : i32
      %cond3A_127 = arith.cmpi ne, %convert_element_type3A_125, %cond3A_126 : i32
      scf.if %cond3A_127 {
        %add3A_286 = arith.constant 3 : i32
        %add3A_287 = arith.addi %add3A_115, %add3A_286 : i32
        %dma_start3A_288 = arith.constant 0 : i32
        %dma_start3A_289 = tpu.memref_slice %arg5[%add3A_287, %dma_start3A_288] : memref<160x40xi32, #tpu.memory_space<vmem>> -> memref<1x40xi32, #tpu.memory_space<vmem>>
        %dma_start3A_290 = tpu.memref_squeeze %dma_start3A_289 : memref<1x40xi32, #tpu.memory_space<vmem>> -> memref<40xi32, #tpu.memory_space<vmem>>
        %dma_start3A_291 = arith.constant 0 : i32
        %dma_start3A_292 = arith.constant 0 : i32
        %dma_start3A_293 = tpu.memref_slice %arg3[%dma_start3A_291, %dma_start3A_292] : memref<50265x256xi32, #tpu.memory_space<hbm>> -> memref<50265x256xi32, #tpu.memory_space<hbm>>
        tpu.enqueue_indirect_dma source(%dma_start3A_293 : memref<50265x256xi32, #tpu.memory_space<hbm>>) target(%arg11 : memref<40x256xi32, #tpu.memory_space<vmem>>) offsets(%dma_start3A_290 : memref<40xi32, #tpu.memory_space<vmem>>) semaphore(%arg19 : memref<!tpu.dma_semaphore, #tpu.memory_space<semaphore_mem>>)
      } else {
      }
      %dma_wait3A_128 = arith.constant 0 : i32
      %dma_wait3A_129 = tpu.memref_slice %arg5[%add3A_115, %dma_wait3A_128] : memref<160x40xi32, #tpu.memory_space<vmem>> -> memref<1x40xi32, #tpu.memory_space<vmem>>
      %dma_wait3A_130 = tpu.memref_squeeze %dma_wait3A_129 : memref<1x40xi32, #tpu.memory_space<vmem>> -> memref<40xi32, #tpu.memory_space<vmem>>
      %dma_wait3A_131 = arith.constant 0 : i32
      %dma_wait3A_132 = arith.constant 0 : i32
      %dma_wait3A_133 = tpu.memref_slice %arg3[%dma_wait3A_131, %dma_wait3A_132] : memref<50265x256xi32, #tpu.memory_space<hbm>> -> memref<50265x256xi32, #tpu.memory_space<hbm>>
      tpu.wait_indirect_dma semaphore(%arg16 : memref<!tpu.dma_semaphore, #tpu.memory_space<semaphore_mem>>) src(%dma_wait3A_133 : memref<50265x256xi32, #tpu.memory_space<hbm>>) dst(%arg8 : memref<40x256xi32, #tpu.memory_space<vmem>>)
      %mul3A_134 = arith.constant 40 : i32
      %mul3A_135 = arith.muli %add3A_115, %mul3A_134 : i32
      %add3A_136 = arith.addi %mul3A_2, %mul3A_135 : i32
      %dma_start3A_137 = arith.constant 0 : i32
      %dma_start3A_138 = tpu.memref_slice %arg4[%add3A_136, %dma_start3A_137] : memref<204800x256xi32, #tpu.memory_space<hbm>> -> memref<40x256xi32, #tpu.memory_space<hbm>>
      %dma_start3A_139 = arith.constant 0 : i32
      %dma_start3A_140 = tpu.memref_slice %arg4[%add3A_136, %dma_start3A_139] : memref<204800x256xi32, #tpu.memory_space<hbm>> -> memref<40x256xi32, #tpu.memory_space<hbm>>
      tpu.enqueue_dma source(%arg8 : memref<40x256xi32, #tpu.memory_space<vmem>>) target(%dma_start3A_140 : memref<40x256xi32, #tpu.memory_space<hbm>>) target_semaphore(%arg24 : memref<!tpu.dma_semaphore, #tpu.memory_space<semaphore_mem>>)
      %mul3A_141 = arith.constant 8 : i32
      %mul3A_142 = arith.muli %scan3A_57, %mul3A_141 : i32
      %add3A_143 = arith.constant 3 : i32
      %add3A_144 = arith.addi %mul3A_142, %add3A_143 : i32
      %ge3A_145 = arith.constant 5 : i32
      %ge3A_146 = arith.cmpi sge, %add3A_144, %ge3A_145 : i32
      %convert_element_type3A_147 = arith.extui %ge3A_146 : i1 to i32
      %cond3A_148 = arith.constant 0 : i32
      %cond3A_149 = arith.cmpi ne, %convert_element_type3A_147, %cond3A_148 : i32
      scf.if %cond3A_149 {
        %dma_wait3A_286 = arith.constant 0 : i32
        %dma_wait3A_287 = arith.constant 0 : i32
        %dma_wait3A_288 = tpu.memref_slice %arg4[%dma_wait3A_286, %dma_wait3A_287] : memref<204800x256xi32, #tpu.memory_space<hbm>> -> memref<40x256xi32, #tpu.memory_space<hbm>>
        %dma_wait3A_289 = arith.constant 0 : i32
        %dma_wait3A_290 = arith.constant 0 : i32
        %dma_wait3A_291 = tpu.memref_slice %arg4[%dma_wait3A_289, %dma_wait3A_290] : memref<204800x256xi32, #tpu.memory_space<hbm>> -> memref<40x256xi32, #tpu.memory_space<hbm>>
        tpu.wait_dma2 semaphore(%arg28 : memref<!tpu.dma_semaphore, #tpu.memory_space<semaphore_mem>>) src(%arg12 : memref<40x256xi32, #tpu.memory_space<vmem>>) dst(%dma_wait3A_291 : memref<40x256xi32, #tpu.memory_space<hbm>>)
      } else {
      }
      %add3A_150 = arith.constant 3 : i32
      %add3A_151 = arith.addi %add3A_144, %add3A_150 : i32
      %lt3A_152 = arith.constant 160 : i32
      %lt3A_153 = arith.cmpi slt, %add3A_151, %lt3A_152 : i32
      %convert_element_type3A_154 = arith.extui %lt3A_153 : i1 to i32
      %cond3A_155 = arith.constant 0 : i32
      %cond3A_156 = arith.cmpi ne, %convert_element_type3A_154, %cond3A_155 : i32
      scf.if %cond3A_156 {
        %add3A_286 = arith.constant 3 : i32
        %add3A_287 = arith.addi %add3A_144, %add3A_286 : i32
        %dma_start3A_288 = arith.constant 0 : i32
        %dma_start3A_289 = tpu.memref_slice %arg5[%add3A_287, %dma_start3A_288] : memref<160x40xi32, #tpu.memory_space<vmem>> -> memref<1x40xi32, #tpu.memory_space<vmem>>
        %dma_start3A_290 = tpu.memref_squeeze %dma_start3A_289 : memref<1x40xi32, #tpu.memory_space<vmem>> -> memref<40xi32, #tpu.memory_space<vmem>>
        %dma_start3A_291 = arith.constant 0 : i32
        %dma_start3A_292 = arith.constant 0 : i32
        %dma_start3A_293 = tpu.memref_slice %arg3[%dma_start3A_291, %dma_start3A_292] : memref<50265x256xi32, #tpu.memory_space<hbm>> -> memref<50265x256xi32, #tpu.memory_space<hbm>>
        tpu.enqueue_indirect_dma source(%dma_start3A_293 : memref<50265x256xi32, #tpu.memory_space<hbm>>) target(%arg12 : memref<40x256xi32, #tpu.memory_space<vmem>>) offsets(%dma_start3A_290 : memref<40xi32, #tpu.memory_space<vmem>>) semaphore(%arg20 : memref<!tpu.dma_semaphore, #tpu.memory_space<semaphore_mem>>)
      } else {
      }
      %dma_wait3A_157 = arith.constant 0 : i32
      %dma_wait3A_158 = tpu.memref_slice %arg5[%add3A_144, %dma_wait3A_157] : memref<160x40xi32, #tpu.memory_space<vmem>> -> memref<1x40xi32, #tpu.memory_space<vmem>>
      %dma_wait3A_159 = tpu.memref_squeeze %dma_wait3A_158 : memref<1x40xi32, #tpu.memory_space<vmem>> -> memref<40xi32, #tpu.memory_space<vmem>>
      %dma_wait3A_160 = arith.constant 0 : i32
      %dma_wait3A_161 = arith.constant 0 : i32
      %dma_wait3A_162 = tpu.memref_slice %arg3[%dma_wait3A_160, %dma_wait3A_161] : memref<50265x256xi32, #tpu.memory_space<hbm>> -> memref<50265x256xi32, #tpu.memory_space<hbm>>
      tpu.wait_indirect_dma semaphore(%arg17 : memref<!tpu.dma_semaphore, #tpu.memory_space<semaphore_mem>>) src(%dma_wait3A_162 : memref<50265x256xi32, #tpu.memory_space<hbm>>) dst(%arg9 : memref<40x256xi32, #tpu.memory_space<vmem>>)
      %mul3A_163 = arith.constant 40 : i32
      %mul3A_164 = arith.muli %add3A_144, %mul3A_163 : i32
      %add3A_165 = arith.addi %mul3A_2, %mul3A_164 : i32
      %dma_start3A_166 = arith.constant 0 : i32
      %dma_start3A_167 = tpu.memref_slice %arg4[%add3A_165, %dma_start3A_166] : memref<204800x256xi32, #tpu.memory_space<hbm>> -> memref<40x256xi32, #tpu.memory_space<hbm>>
      %dma_start3A_168 = arith.constant 0 : i32
      %dma_start3A_169 = tpu.memref_slice %arg4[%add3A_165, %dma_start3A_168] : memref<204800x256xi32, #tpu.memory_space<hbm>> -> memref<40x256xi32, #tpu.memory_space<hbm>>
      tpu.enqueue_dma source(%arg9 : memref<40x256xi32, #tpu.memory_space<vmem>>) target(%dma_start3A_169 : memref<40x256xi32, #tpu.memory_space<hbm>>) target_semaphore(%arg25 : memref<!tpu.dma_semaphore, #tpu.memory_space<semaphore_mem>>)
      %mul3A_170 = arith.constant 8 : i32
      %mul3A_171 = arith.muli %scan3A_57, %mul3A_170 : i32
      %add3A_172 = arith.constant 4 : i32
      %add3A_173 = arith.addi %mul3A_171, %add3A_172 : i32
      %ge3A_174 = arith.constant 5 : i32
      %ge3A_175 = arith.cmpi sge, %add3A_173, %ge3A_174 : i32
      %convert_element_type3A_176 = arith.extui %ge3A_175 : i1 to i32
      %cond3A_177 = arith.constant 0 : i32
      %cond3A_178 = arith.cmpi ne, %convert_element_type3A_176, %cond3A_177 : i32
      scf.if %cond3A_178 {
        %dma_wait3A_286 = arith.constant 0 : i32
        %dma_wait3A_287 = arith.constant 0 : i32
        %dma_wait3A_288 = tpu.memref_slice %arg4[%dma_wait3A_286, %dma_wait3A_287] : memref<204800x256xi32, #tpu.memory_space<hbm>> -> memref<40x256xi32, #tpu.memory_space<hbm>>
        %dma_wait3A_289 = arith.constant 0 : i32
        %dma_wait3A_290 = arith.constant 0 : i32
        %dma_wait3A_291 = tpu.memref_slice %arg4[%dma_wait3A_289, %dma_wait3A_290] : memref<204800x256xi32, #tpu.memory_space<hbm>> -> memref<40x256xi32, #tpu.memory_space<hbm>>
        tpu.wait_dma2 semaphore(%arg29 : memref<!tpu.dma_semaphore, #tpu.memory_space<semaphore_mem>>) src(%arg13 : memref<40x256xi32, #tpu.memory_space<vmem>>) dst(%dma_wait3A_291 : memref<40x256xi32, #tpu.memory_space<hbm>>)
      } else {
      }
      %add3A_179 = arith.constant 3 : i32
      %add3A_180 = arith.addi %add3A_173, %add3A_179 : i32
      %lt3A_181 = arith.constant 160 : i32
      %lt3A_182 = arith.cmpi slt, %add3A_180, %lt3A_181 : i32
      %convert_element_type3A_183 = arith.extui %lt3A_182 : i1 to i32
      %cond3A_184 = arith.constant 0 : i32
      %cond3A_185 = arith.cmpi ne, %convert_element_type3A_183, %cond3A_184 : i32
      scf.if %cond3A_185 {
        %add3A_286 = arith.constant 3 : i32
        %add3A_287 = arith.addi %add3A_173, %add3A_286 : i32
        %dma_start3A_288 = arith.constant 0 : i32
        %dma_start3A_289 = tpu.memref_slice %arg5[%add3A_287, %dma_start3A_288] : memref<160x40xi32, #tpu.memory_space<vmem>> -> memref<1x40xi32, #tpu.memory_space<vmem>>
        %dma_start3A_290 = tpu.memref_squeeze %dma_start3A_289 : memref<1x40xi32, #tpu.memory_space<vmem>> -> memref<40xi32, #tpu.memory_space<vmem>>
        %dma_start3A_291 = arith.constant 0 : i32
        %dma_start3A_292 = arith.constant 0 : i32
        %dma_start3A_293 = tpu.memref_slice %arg3[%dma_start3A_291, %dma_start3A_292] : memref<50265x256xi32, #tpu.memory_space<hbm>> -> memref<50265x256xi32, #tpu.memory_space<hbm>>
        tpu.enqueue_indirect_dma source(%dma_start3A_293 : memref<50265x256xi32, #tpu.memory_space<hbm>>) target(%arg13 : memref<40x256xi32, #tpu.memory_space<vmem>>) offsets(%dma_start3A_290 : memref<40xi32, #tpu.memory_space<vmem>>) semaphore(%arg21 : memref<!tpu.dma_semaphore, #tpu.memory_space<semaphore_mem>>)
      } else {
      }
      %dma_wait3A_186 = arith.constant 0 : i32
      %dma_wait3A_187 = tpu.memref_slice %arg5[%add3A_173, %dma_wait3A_186] : memref<160x40xi32, #tpu.memory_space<vmem>> -> memref<1x40xi32, #tpu.memory_space<vmem>>
      %dma_wait3A_188 = tpu.memref_squeeze %dma_wait3A_187 : memref<1x40xi32, #tpu.memory_space<vmem>> -> memref<40xi32, #tpu.memory_space<vmem>>
      %dma_wait3A_189 = arith.constant 0 : i32
      %dma_wait3A_190 = arith.constant 0 : i32
      %dma_wait3A_191 = tpu.memref_slice %arg3[%dma_wait3A_189, %dma_wait3A_190] : memref<50265x256xi32, #tpu.memory_space<hbm>> -> memref<50265x256xi32, #tpu.memory_space<hbm>>
      tpu.wait_indirect_dma semaphore(%arg18 : memref<!tpu.dma_semaphore, #tpu.memory_space<semaphore_mem>>) src(%dma_wait3A_191 : memref<50265x256xi32, #tpu.memory_space<hbm>>) dst(%arg10 : memref<40x256xi32, #tpu.memory_space<vmem>>)
      %mul3A_192 = arith.constant 40 : i32
      %mul3A_193 = arith.muli %add3A_173, %mul3A_192 : i32
      %add3A_194 = arith.addi %mul3A_2, %mul3A_193 : i32
      %dma_start3A_195 = arith.constant 0 : i32
      %dma_start3A_196 = tpu.memref_slice %arg4[%add3A_194, %dma_start3A_195] : memref<204800x256xi32, #tpu.memory_space<hbm>> -> memref<40x256xi32, #tpu.memory_space<hbm>>
      %dma_start3A_197 = arith.constant 0 : i32
      %dma_start3A_198 = tpu.memref_slice %arg4[%add3A_194, %dma_start3A_197] : memref<204800x256xi32, #tpu.memory_space<hbm>> -> memref<40x256xi32, #tpu.memory_space<hbm>>
      tpu.enqueue_dma source(%arg10 : memref<40x256xi32, #tpu.memory_space<vmem>>) target(%dma_start3A_198 : memref<40x256xi32, #tpu.memory_space<hbm>>) target_semaphore(%arg26 : memref<!tpu.dma_semaphore, #tpu.memory_space<semaphore_mem>>)
      %mul3A_199 = arith.constant 8 : i32
      %mul3A_200 = arith.muli %scan3A_57, %mul3A_199 : i32
      %add3A_201 = arith.constant 5 : i32
      %add3A_202 = arith.addi %mul3A_200, %add3A_201 : i32
      %ge3A_203 = arith.constant 5 : i32
      %ge3A_204 = arith.cmpi sge, %add3A_202, %ge3A_203 : i32
      %convert_element_type3A_205 = arith.extui %ge3A_204 : i1 to i32
      %cond3A_206 = arith.constant 0 : i32
      %cond3A_207 = arith.cmpi ne, %convert_element_type3A_205, %cond3A_206 : i32
      scf.if %cond3A_207 {
        %dma_wait3A_286 = arith.constant 0 : i32
        %dma_wait3A_287 = arith.constant 0 : i32
        %dma_wait3A_288 = tpu.memref_slice %arg4[%dma_wait3A_286, %dma_wait3A_287] : memref<204800x256xi32, #tpu.memory_space<hbm>> -> memref<40x256xi32, #tpu.memory_space<hbm>>
        %dma_wait3A_289 = arith.constant 0 : i32
        %dma_wait3A_290 = arith.constant 0 : i32
        %dma_wait3A_291 = tpu.memref_slice %arg4[%dma_wait3A_289, %dma_wait3A_290] : memref<204800x256xi32, #tpu.memory_space<hbm>> -> memref<40x256xi32, #tpu.memory_space<hbm>>
        tpu.wait_dma2 semaphore(%arg22 : memref<!tpu.dma_semaphore, #tpu.memory_space<semaphore_mem>>) src(%arg6 : memref<40x256xi32, #tpu.memory_space<vmem>>) dst(%dma_wait3A_291 : memref<40x256xi32, #tpu.memory_space<hbm>>)
      } else {
      }
      %add3A_208 = arith.constant 3 : i32
      %add3A_209 = arith.addi %add3A_202, %add3A_208 : i32
      %lt3A_210 = arith.constant 160 : i32
      %lt3A_211 = arith.cmpi slt, %add3A_209, %lt3A_210 : i32
      %convert_element_type3A_212 = arith.extui %lt3A_211 : i1 to i32
      %cond3A_213 = arith.constant 0 : i32
      %cond3A_214 = arith.cmpi ne, %convert_element_type3A_212, %cond3A_213 : i32
      scf.if %cond3A_214 {
        %add3A_286 = arith.constant 3 : i32
        %add3A_287 = arith.addi %add3A_202, %add3A_286 : i32
        %dma_start3A_288 = arith.constant 0 : i32
        %dma_start3A_289 = tpu.memref_slice %arg5[%add3A_287, %dma_start3A_288] : memref<160x40xi32, #tpu.memory_space<vmem>> -> memref<1x40xi32, #tpu.memory_space<vmem>>
        %dma_start3A_290 = tpu.memref_squeeze %dma_start3A_289 : memref<1x40xi32, #tpu.memory_space<vmem>> -> memref<40xi32, #tpu.memory_space<vmem>>
        %dma_start3A_291 = arith.constant 0 : i32
        %dma_start3A_292 = arith.constant 0 : i32
        %dma_start3A_293 = tpu.memref_slice %arg3[%dma_start3A_291, %dma_start3A_292] : memref<50265x256xi32, #tpu.memory_space<hbm>> -> memref<50265x256xi32, #tpu.memory_space<hbm>>
        tpu.enqueue_indirect_dma source(%dma_start3A_293 : memref<50265x256xi32, #tpu.memory_space<hbm>>) target(%arg6 : memref<40x256xi32, #tpu.memory_space<vmem>>) offsets(%dma_start3A_290 : memref<40xi32, #tpu.memory_space<vmem>>) semaphore(%arg14 : memref<!tpu.dma_semaphore, #tpu.memory_space<semaphore_mem>>)
      } else {
      }
      %dma_wait3A_215 = arith.constant 0 : i32
      %dma_wait3A_216 = tpu.memref_slice %arg5[%add3A_202, %dma_wait3A_215] : memref<160x40xi32, #tpu.memory_space<vmem>> -> memref<1x40xi32, #tpu.memory_space<vmem>>
      %dma_wait3A_217 = tpu.memref_squeeze %dma_wait3A_216 : memref<1x40xi32, #tpu.memory_space<vmem>> -> memref<40xi32, #tpu.memory_space<vmem>>
      %dma_wait3A_218 = arith.constant 0 : i32
      %dma_wait3A_219 = arith.constant 0 : i32
      %dma_wait3A_220 = tpu.memref_slice %arg3[%dma_wait3A_218, %dma_wait3A_219] : memref<50265x256xi32, #tpu.memory_space<hbm>> -> memref<50265x256xi32, #tpu.memory_space<hbm>>
      tpu.wait_indirect_dma semaphore(%arg19 : memref<!tpu.dma_semaphore, #tpu.memory_space<semaphore_mem>>) src(%dma_wait3A_220 : memref<50265x256xi32, #tpu.memory_space<hbm>>) dst(%arg11 : memref<40x256xi32, #tpu.memory_space<vmem>>)
      %mul3A_221 = arith.constant 40 : i32
      %mul3A_222 = arith.muli %add3A_202, %mul3A_221 : i32
      %add3A_223 = arith.addi %mul3A_2, %mul3A_222 : i32
      %dma_start3A_224 = arith.constant 0 : i32
      %dma_start3A_225 = tpu.memref_slice %arg4[%add3A_223, %dma_start3A_224] : memref<204800x256xi32, #tpu.memory_space<hbm>> -> memref<40x256xi32, #tpu.memory_space<hbm>>
      %dma_start3A_226 = arith.constant 0 : i32
      %dma_start3A_227 = tpu.memref_slice %arg4[%add3A_223, %dma_start3A_226] : memref<204800x256xi32, #tpu.memory_space<hbm>> -> memref<40x256xi32, #tpu.memory_space<hbm>>
      tpu.enqueue_dma source(%arg11 : memref<40x256xi32, #tpu.memory_space<vmem>>) target(%dma_start3A_227 : memref<40x256xi32, #tpu.memory_space<hbm>>) target_semaphore(%arg27 : memref<!tpu.dma_semaphore, #tpu.memory_space<semaphore_mem>>)
      %mul3A_228 = arith.constant 8 : i32
      %mul3A_229 = arith.muli %scan3A_57, %mul3A_228 : i32
      %add3A_230 = arith.constant 6 : i32
      %add3A_231 = arith.addi %mul3A_229, %add3A_230 : i32
      %ge3A_232 = arith.constant 5 : i32
      %ge3A_233 = arith.cmpi sge, %add3A_231, %ge3A_232 : i32
      %convert_element_type3A_234 = arith.extui %ge3A_233 : i1 to i32
      %cond3A_235 = arith.constant 0 : i32
      %cond3A_236 = arith.cmpi ne, %convert_element_type3A_234, %cond3A_235 : i32
      scf.if %cond3A_236 {
        %dma_wait3A_286 = arith.constant 0 : i32
        %dma_wait3A_287 = arith.constant 0 : i32
        %dma_wait3A_288 = tpu.memref_slice %arg4[%dma_wait3A_286, %dma_wait3A_287] : memref<204800x256xi32, #tpu.memory_space<hbm>> -> memref<40x256xi32, #tpu.memory_space<hbm>>
        %dma_wait3A_289 = arith.constant 0 : i32
        %dma_wait3A_290 = arith.constant 0 : i32
        %dma_wait3A_291 = tpu.memref_slice %arg4[%dma_wait3A_289, %dma_wait3A_290] : memref<204800x256xi32, #tpu.memory_space<hbm>> -> memref<40x256xi32, #tpu.memory_space<hbm>>
        tpu.wait_dma2 semaphore(%arg23 : memref<!tpu.dma_semaphore, #tpu.memory_space<semaphore_mem>>) src(%arg7 : memref<40x256xi32, #tpu.memory_space<vmem>>) dst(%dma_wait3A_291 : memref<40x256xi32, #tpu.memory_space<hbm>>)
      } else {
      }
      %add3A_237 = arith.constant 3 : i32
      %add3A_238 = arith.addi %add3A_231, %add3A_237 : i32
      %lt3A_239 = arith.constant 160 : i32
      %lt3A_240 = arith.cmpi slt, %add3A_238, %lt3A_239 : i32
      %convert_element_type3A_241 = arith.extui %lt3A_240 : i1 to i32
      %cond3A_242 = arith.constant 0 : i32
      %cond3A_243 = arith.cmpi ne, %convert_element_type3A_241, %cond3A_242 : i32
      scf.if %cond3A_243 {
        %add3A_286 = arith.constant 3 : i32
        %add3A_287 = arith.addi %add3A_231, %add3A_286 : i32
        %dma_start3A_288 = arith.constant 0 : i32
        %dma_start3A_289 = tpu.memref_slice %arg5[%add3A_287, %dma_start3A_288] : memref<160x40xi32, #tpu.memory_space<vmem>> -> memref<1x40xi32, #tpu.memory_space<vmem>>
        %dma_start3A_290 = tpu.memref_squeeze %dma_start3A_289 : memref<1x40xi32, #tpu.memory_space<vmem>> -> memref<40xi32, #tpu.memory_space<vmem>>
        %dma_start3A_291 = arith.constant 0 : i32
        %dma_start3A_292 = arith.constant 0 : i32
        %dma_start3A_293 = tpu.memref_slice %arg3[%dma_start3A_291, %dma_start3A_292] : memref<50265x256xi32, #tpu.memory_space<hbm>> -> memref<50265x256xi32, #tpu.memory_space<hbm>>
        tpu.enqueue_indirect_dma source(%dma_start3A_293 : memref<50265x256xi32, #tpu.memory_space<hbm>>) target(%arg7 : memref<40x256xi32, #tpu.memory_space<vmem>>) offsets(%dma_start3A_290 : memref<40xi32, #tpu.memory_space<vmem>>) semaphore(%arg15 : memref<!tpu.dma_semaphore, #tpu.memory_space<semaphore_mem>>)
      } else {
      }
      %dma_wait3A_244 = arith.constant 0 : i32
      %dma_wait3A_245 = tpu.memref_slice %arg5[%add3A_231, %dma_wait3A_244] : memref<160x40xi32, #tpu.memory_space<vmem>> -> memref<1x40xi32, #tpu.memory_space<vmem>>
      %dma_wait3A_246 = tpu.memref_squeeze %dma_wait3A_245 : memref<1x40xi32, #tpu.memory_space<vmem>> -> memref<40xi32, #tpu.memory_space<vmem>>
      %dma_wait3A_247 = arith.constant 0 : i32
      %dma_wait3A_248 = arith.constant 0 : i32
      %dma_wait3A_249 = tpu.memref_slice %arg3[%dma_wait3A_247, %dma_wait3A_248] : memref<50265x256xi32, #tpu.memory_space<hbm>> -> memref<50265x256xi32, #tpu.memory_space<hbm>>
      tpu.wait_indirect_dma semaphore(%arg20 : memref<!tpu.dma_semaphore, #tpu.memory_space<semaphore_mem>>) src(%dma_wait3A_249 : memref<50265x256xi32, #tpu.memory_space<hbm>>) dst(%arg12 : memref<40x256xi32, #tpu.memory_space<vmem>>)
      %mul3A_250 = arith.constant 40 : i32
      %mul3A_251 = arith.muli %add3A_231, %mul3A_250 : i32
      %add3A_252 = arith.addi %mul3A_2, %mul3A_251 : i32
      %dma_start3A_253 = arith.constant 0 : i32
      %dma_start3A_254 = tpu.memref_slice %arg4[%add3A_252, %dma_start3A_253] : memref<204800x256xi32, #tpu.memory_space<hbm>> -> memref<40x256xi32, #tpu.memory_space<hbm>>
      %dma_start3A_255 = arith.constant 0 : i32
      %dma_start3A_256 = tpu.memref_slice %arg4[%add3A_252, %dma_start3A_255] : memref<204800x256xi32, #tpu.memory_space<hbm>> -> memref<40x256xi32, #tpu.memory_space<hbm>>
      tpu.enqueue_dma source(%arg12 : memref<40x256xi32, #tpu.memory_space<vmem>>) target(%dma_start3A_256 : memref<40x256xi32, #tpu.memory_space<hbm>>) target_semaphore(%arg28 : memref<!tpu.dma_semaphore, #tpu.memory_space<semaphore_mem>>)
      %mul3A_257 = arith.constant 8 : i32
      %mul3A_258 = arith.muli %scan3A_57, %mul3A_257 : i32
      %add3A_259 = arith.constant 7 : i32
      %add3A_260 = arith.addi %mul3A_258, %add3A_259 : i32
      %ge3A_261 = arith.constant 5 : i32
      %ge3A_262 = arith.cmpi sge, %add3A_260, %ge3A_261 : i32
      %convert_element_type3A_263 = arith.extui %ge3A_262 : i1 to i32
      %cond3A_264 = arith.constant 0 : i32
      %cond3A_265 = arith.cmpi ne, %convert_element_type3A_263, %cond3A_264 : i32
      scf.if %cond3A_265 {
        %dma_wait3A_286 = arith.constant 0 : i32
        %dma_wait3A_287 = arith.constant 0 : i32
        %dma_wait3A_288 = tpu.memref_slice %arg4[%dma_wait3A_286, %dma_wait3A_287] : memref<204800x256xi32, #tpu.memory_space<hbm>> -> memref<40x256xi32, #tpu.memory_space<hbm>>
        %dma_wait3A_289 = arith.constant 0 : i32
        %dma_wait3A_290 = arith.constant 0 : i32
        %dma_wait3A_291 = tpu.memref_slice %arg4[%dma_wait3A_289, %dma_wait3A_290] : memref<204800x256xi32, #tpu.memory_space<hbm>> -> memref<40x256xi32, #tpu.memory_space<hbm>>
        tpu.wait_dma2 semaphore(%arg24 : memref<!tpu.dma_semaphore, #tpu.memory_space<semaphore_mem>>) src(%arg8 : memref<40x256xi32, #tpu.memory_space<vmem>>) dst(%dma_wait3A_291 : memref<40x256xi32, #tpu.memory_space<hbm>>)
      } else {
      }
      %add3A_266 = arith.constant 3 : i32
      %add3A_267 = arith.addi %add3A_260, %add3A_266 : i32
      %lt3A_268 = arith.constant 160 : i32
      %lt3A_269 = arith.cmpi slt, %add3A_267, %lt3A_268 : i32
      %convert_element_type3A_270 = arith.extui %lt3A_269 : i1 to i32
      %cond3A_271 = arith.constant 0 : i32
      %cond3A_272 = arith.cmpi ne, %convert_element_type3A_270, %cond3A_271 : i32
      scf.if %cond3A_272 {
        %add3A_286 = arith.constant 3 : i32
        %add3A_287 = arith.addi %add3A_260, %add3A_286 : i32
        %dma_start3A_288 = arith.constant 0 : i32
        %dma_start3A_289 = tpu.memref_slice %arg5[%add3A_287, %dma_start3A_288] : memref<160x40xi32, #tpu.memory_space<vmem>> -> memref<1x40xi32, #tpu.memory_space<vmem>>
        %dma_start3A_290 = tpu.memref_squeeze %dma_start3A_289 : memref<1x40xi32, #tpu.memory_space<vmem>> -> memref<40xi32, #tpu.memory_space<vmem>>
        %dma_start3A_291 = arith.constant 0 : i32
        %dma_start3A_292 = arith.constant 0 : i32
        %dma_start3A_293 = tpu.memref_slice %arg3[%dma_start3A_291, %dma_start3A_292] : memref<50265x256xi32, #tpu.memory_space<hbm>> -> memref<50265x256xi32, #tpu.memory_space<hbm>>
        tpu.enqueue_indirect_dma source(%dma_start3A_293 : memref<50265x256xi32, #tpu.memory_space<hbm>>) target(%arg8 : memref<40x256xi32, #tpu.memory_space<vmem>>) offsets(%dma_start3A_290 : memref<40xi32, #tpu.memory_space<vmem>>) semaphore(%arg16 : memref<!tpu.dma_semaphore, #tpu.memory_space<semaphore_mem>>)
      } else {
      }
      %dma_wait3A_273 = arith.constant 0 : i32
      %dma_wait3A_274 = tpu.memref_slice %arg5[%add3A_260, %dma_wait3A_273] : memref<160x40xi32, #tpu.memory_space<vmem>> -> memref<1x40xi32, #tpu.memory_space<vmem>>
      %dma_wait3A_275 = tpu.memref_squeeze %dma_wait3A_274 : memref<1x40xi32, #tpu.memory_space<vmem>> -> memref<40xi32, #tpu.memory_space<vmem>>
      %dma_wait3A_276 = arith.constant 0 : i32
      %dma_wait3A_277 = arith.constant 0 : i32
      %dma_wait3A_278 = tpu.memref_slice %arg3[%dma_wait3A_276, %dma_wait3A_277] : memref<50265x256xi32, #tpu.memory_space<hbm>> -> memref<50265x256xi32, #tpu.memory_space<hbm>>
      tpu.wait_indirect_dma semaphore(%arg21 : memref<!tpu.dma_semaphore, #tpu.memory_space<semaphore_mem>>) src(%dma_wait3A_278 : memref<50265x256xi32, #tpu.memory_space<hbm>>) dst(%arg13 : memref<40x256xi32, #tpu.memory_space<vmem>>)
      %mul3A_279 = arith.constant 40 : i32
      %mul3A_280 = arith.muli %add3A_260, %mul3A_279 : i32
      %add3A_281 = arith.addi %mul3A_2, %mul3A_280 : i32
      %dma_start3A_282 = arith.constant 0 : i32
      %dma_start3A_283 = tpu.memref_slice %arg4[%add3A_281, %dma_start3A_282] : memref<204800x256xi32, #tpu.memory_space<hbm>> -> memref<40x256xi32, #tpu.memory_space<hbm>>
      %dma_start3A_284 = arith.constant 0 : i32
      %dma_start3A_285 = tpu.memref_slice %arg4[%add3A_281, %dma_start3A_284] : memref<204800x256xi32, #tpu.memory_space<hbm>> -> memref<40x256xi32, #tpu.memory_space<hbm>>
      tpu.enqueue_dma source(%arg13 : memref<40x256xi32, #tpu.memory_space<vmem>>) target(%dma_start3A_285 : memref<40x256xi32, #tpu.memory_space<hbm>>) target_semaphore(%arg29 : memref<!tpu.dma_semaphore, #tpu.memory_space<semaphore_mem>>)
    }
    %scan3A_27 = arith.constant 20 : i32
    %dma_wait3A = arith.constant 0 : i32
    %dma_wait3A_28 = arith.constant 0 : i32
    %dma_wait3A_29 = tpu.memref_slice %arg4[%dma_wait3A, %dma_wait3A_28] : memref<204800x256xi32, #tpu.memory_space<hbm>> -> memref<40x256xi32, #tpu.memory_space<hbm>>
    %dma_wait3A_30 = arith.constant 0 : i32
    %dma_wait3A_31 = arith.constant 0 : i32
    %dma_wait3A_32 = tpu.memref_slice %arg4[%dma_wait3A_30, %dma_wait3A_31] : memref<204800x256xi32, #tpu.memory_space<hbm>> -> memref<40x256xi32, #tpu.memory_space<hbm>>
    tpu.wait_dma2 semaphore(%arg25 : memref<!tpu.dma_semaphore, #tpu.memory_space<semaphore_mem>>) src(%arg9 : memref<40x256xi32, #tpu.memory_space<vmem>>) dst(%dma_wait3A_32 : memref<40x256xi32, #tpu.memory_space<hbm>>)
    %dma_wait3A_33 = arith.constant 0 : i32
    %dma_wait3A_34 = arith.constant 0 : i32
    %dma_wait3A_35 = tpu.memref_slice %arg4[%dma_wait3A_33, %dma_wait3A_34] : memref<204800x256xi32, #tpu.memory_space<hbm>> -> memref<40x256xi32, #tpu.memory_space<hbm>>
    %dma_wait3A_36 = arith.constant 0 : i32
    %dma_wait3A_37 = arith.constant 0 : i32
    %dma_wait3A_38 = tpu.memref_slice %arg4[%dma_wait3A_36, %dma_wait3A_37] : memref<204800x256xi32, #tpu.memory_space<hbm>> -> memref<40x256xi32, #tpu.memory_space<hbm>>
    tpu.wait_dma2 semaphore(%arg26 : memref<!tpu.dma_semaphore, #tpu.memory_space<semaphore_mem>>) src(%arg10 : memref<40x256xi32, #tpu.memory_space<vmem>>) dst(%dma_wait3A_38 : memref<40x256xi32, #tpu.memory_space<hbm>>)
    %dma_wait3A_39 = arith.constant 0 : i32
    %dma_wait3A_40 = arith.constant 0 : i32
    %dma_wait3A_41 = tpu.memref_slice %arg4[%dma_wait3A_39, %dma_wait3A_40] : memref<204800x256xi32, #tpu.memory_space<hbm>> -> memref<40x256xi32, #tpu.memory_space<hbm>>
    %dma_wait3A_42 = arith.constant 0 : i32
    %dma_wait3A_43 = arith.constant 0 : i32
    %dma_wait3A_44 = tpu.memref_slice %arg4[%dma_wait3A_42, %dma_wait3A_43] : memref<204800x256xi32, #tpu.memory_space<hbm>> -> memref<40x256xi32, #tpu.memory_space<hbm>>
    tpu.wait_dma2 semaphore(%arg27 : memref<!tpu.dma_semaphore, #tpu.memory_space<semaphore_mem>>) src(%arg11 : memref<40x256xi32, #tpu.memory_space<vmem>>) dst(%dma_wait3A_44 : memref<40x256xi32, #tpu.memory_space<hbm>>)
    %dma_wait3A_45 = arith.constant 0 : i32
    %dma_wait3A_46 = arith.constant 0 : i32
    %dma_wait3A_47 = tpu.memref_slice %arg4[%dma_wait3A_45, %dma_wait3A_46] : memref<204800x256xi32, #tpu.memory_space<hbm>> -> memref<40x256xi32, #tpu.memory_space<hbm>>
    %dma_wait3A_48 = arith.constant 0 : i32
    %dma_wait3A_49 = arith.constant 0 : i32
    %dma_wait3A_50 = tpu.memref_slice %arg4[%dma_wait3A_48, %dma_wait3A_49] : memref<204800x256xi32, #tpu.memory_space<hbm>> -> memref<40x256xi32, #tpu.memory_space<hbm>>
    tpu.wait_dma2 semaphore(%arg28 : memref<!tpu.dma_semaphore, #tpu.memory_space<semaphore_mem>>) src(%arg12 : memref<40x256xi32, #tpu.memory_space<vmem>>) dst(%dma_wait3A_50 : memref<40x256xi32, #tpu.memory_space<hbm>>)
    %dma_wait3A_51 = arith.constant 0 : i32
    %dma_wait3A_52 = arith.constant 0 : i32
    %dma_wait3A_53 = tpu.memref_slice %arg4[%dma_wait3A_51, %dma_wait3A_52] : memref<204800x256xi32, #tpu.memory_space<hbm>> -> memref<40x256xi32, #tpu.memory_space<hbm>>
    %dma_wait3A_54 = arith.constant 0 : i32
    %dma_wait3A_55 = arith.constant 0 : i32
    %dma_wait3A_56 = tpu.memref_slice %arg4[%dma_wait3A_54, %dma_wait3A_55] : memref<204800x256xi32, #tpu.memory_space<hbm>> -> memref<40x256xi32, #tpu.memory_space<hbm>>
    tpu.wait_dma2 semaphore(%arg29 : memref<!tpu.dma_semaphore, #tpu.memory_space<semaphore_mem>>) src(%arg13 : memref<40x256xi32, #tpu.memory_space<vmem>>) dst(%dma_wait3A_56 : memref<40x256xi32, #tpu.memory_space<hbm>>)
    return
  }
}

module attributes {stable_mosaic.version = 14 : i64} {
  func.func @_ln_body(%arg0: i32, %arg1: memref<1x200x512xf32, #tpu.memory_space<vmem>>, %arg2: memref<1x1x512xf32, #tpu.memory_space<vmem>>, %arg3: memref<1x1x512xf32, #tpu.memory_space<vmem>>, %arg4: memref<16x200x256xi32, #tpu.memory_space<vmem>>, %arg5: memref<16x200x512xf32, #tpu.memory_space<vmem>>) attributes {dimension_semantics = [#tpu.dimension_semantics<arbitrary>], iteration_bounds = array<i64: 64>, scalar_prefetch = 0 : i64, scratch_operands = 0 : i64, tpu.core_type = #tpu.core_type<tc>, window_params = [{pipeline_mode = #tpu.pipeline_mode<synchronous>, transform_indices = @transform_0, window_bounds = array<i64: 1, 200, 512>}, {pipeline_mode = #tpu.pipeline_mode<synchronous>, transform_indices = @transform_1, window_bounds = array<i64: 1, 1, 512>}, {pipeline_mode = #tpu.pipeline_mode<synchronous>, transform_indices = @transform_2, window_bounds = array<i64: 1, 1, 512>}, {transform_indices = @transform_3, window_bounds = array<i64: 16, 200, 256>}, {transform_indices = @transform_4, window_bounds = array<i64: 16, 200, 512>}]} {
    %get3A = arith.constant 0 : index
    %get3A_0 = arith.constant 0 : index
    %get3A_1 = arith.constant 0 : index
    %get3A_2 = vector.load %arg4[%get3A, %get3A_0, %get3A_1] : memref<16x200x256xi32, #tpu.memory_space<vmem>>, vector<16x200x256xi32>
    %shift_left3A = arith.constant 16 : i32
    %shift_left3A_3 = vector.broadcast %shift_left3A : i32 to vector<16x200x256xi32>
    %shift_left3A_4 = arith.shli %get3A_2, %shift_left3A_3 : vector<16x200x256xi32>
    %bitcast_convert_type3A = tpu.bitcast %shift_left3A_4 : vector<16x200x256xi32> -> vector<16x200x256xf32>
    %and3A = arith.constant -65536 : i32
    %and3A_5 = vector.broadcast %and3A : i32 to vector<16x200x256xi32>
    %and3A_6 = arith.andi %get3A_2, %and3A_5 : vector<16x200x256xi32>
    %bitcast_convert_type3A_7 = tpu.bitcast %and3A_6 : vector<16x200x256xi32> -> vector<16x200x256xf32>
    %get3A_8 = arith.constant 0 : index
    %get3A_9 = arith.constant 0 : index
    %get3A_10 = arith.constant 0 : index
    %get3A_11 = vector.load %arg1[%get3A_8, %get3A_9, %get3A_10] : memref<1x200x512xf32, #tpu.memory_space<vmem>>, vector<1x200x512xf32>
    %slice3A = vector.extract_strided_slice %get3A_11 {offsets = [0, 0, 0], sizes = [1, 200, 256], strides = [1, 1, 1]} : vector<1x200x512xf32> to vector<1x200x256xf32>
    %add3A = vector.broadcast %slice3A : vector<1x200x256xf32> to vector<16x200x256xf32>
    %add3A_12 = arith.addf %bitcast_convert_type3A, %add3A : vector<16x200x256xf32>
    %slice3A_13 = vector.extract_strided_slice %get3A_11 {offsets = [0, 0, 256], sizes = [1, 200, 256], strides = [1, 1, 1]} : vector<1x200x512xf32> to vector<1x200x256xf32>
    %add3A_14 = vector.broadcast %slice3A_13 : vector<1x200x256xf32> to vector<16x200x256xf32>
    %add3A_15 = arith.addf %bitcast_convert_type3A_7, %add3A_14 : vector<16x200x256xf32>
    %reduce_sum3A = arith.constant dense<0.000000e+00> : vector<16x200xf32>
    %reduce_sum3A_16 = vector.multi_reduction <add>, %add3A_12, %reduce_sum3A [2] : vector<16x200x256xf32> to vector<16x200xf32>
    %broadcast_in_dim3A = vector.shape_cast %reduce_sum3A_16 : vector<16x200xf32> to vector<16x200x1xf32>
    %reduce_sum3A_17 = arith.constant dense<0.000000e+00> : vector<16x200xf32>
    %reduce_sum3A_18 = vector.multi_reduction <add>, %add3A_15, %reduce_sum3A_17 [2] : vector<16x200x256xf32> to vector<16x200xf32>
    %broadcast_in_dim3A_19 = vector.shape_cast %reduce_sum3A_18 : vector<16x200xf32> to vector<16x200x1xf32>
    %add3A_20 = arith.addf %broadcast_in_dim3A, %broadcast_in_dim3A_19 : vector<16x200x1xf32>
    %mul3A = arith.mulf %add3A_12, %add3A_12 : vector<16x200x256xf32>
    %reduce_sum3A_21 = arith.constant dense<0.000000e+00> : vector<16x200xf32>
    %reduce_sum3A_22 = vector.multi_reduction <add>, %mul3A, %reduce_sum3A_21 [2] : vector<16x200x256xf32> to vector<16x200xf32>
    %broadcast_in_dim3A_23 = vector.shape_cast %reduce_sum3A_22 : vector<16x200xf32> to vector<16x200x1xf32>
    %mul3A_24 = arith.mulf %add3A_15, %add3A_15 : vector<16x200x256xf32>
    %reduce_sum3A_25 = arith.constant dense<0.000000e+00> : vector<16x200xf32>
    %reduce_sum3A_26 = vector.multi_reduction <add>, %mul3A_24, %reduce_sum3A_25 [2] : vector<16x200x256xf32> to vector<16x200xf32>
    %broadcast_in_dim3A_27 = vector.shape_cast %reduce_sum3A_26 : vector<16x200xf32> to vector<16x200x1xf32>
    %add3A_28 = arith.addf %broadcast_in_dim3A_23, %broadcast_in_dim3A_27 : vector<16x200x1xf32>
    %mul3A_29 = arith.constant 0.001953125 : f32
    %mul3A_30 = vector.broadcast %mul3A_29 : f32 to vector<16x200x1xf32>
    %mul3A_31 = arith.mulf %add3A_20, %mul3A_30 : vector<16x200x1xf32>
    %mul3A_32 = arith.constant 0.001953125 : f32
    %mul3A_33 = vector.broadcast %mul3A_32 : f32 to vector<16x200x1xf32>
    %mul3A_34 = arith.mulf %add3A_28, %mul3A_33 : vector<16x200x1xf32>
    %mul3A_35 = arith.mulf %mul3A_31, %mul3A_31 : vector<16x200x1xf32>
    %sub3A = arith.subf %mul3A_34, %mul3A_35 : vector<16x200x1xf32>
    %add3A_36 = arith.constant 9.99999974E-6 : f32
    %add3A_37 = vector.broadcast %add3A_36 : f32 to vector<16x200x1xf32>
    %add3A_38 = arith.addf %sub3A, %add3A_37 : vector<16x200x1xf32>
    %rsqrt3A = math.rsqrt %add3A_38 : vector<16x200x1xf32>
    %get3A_39 = arith.constant 0 : index
    %get3A_40 = arith.constant 0 : index
    %get3A_41 = arith.constant 0 : index
    %get3A_42 = vector.load %arg2[%get3A_39, %get3A_40, %get3A_41] : memref<1x1x512xf32, #tpu.memory_space<vmem>>, vector<1x1x512xf32>
    %get3A_43 = arith.constant 0 : index
    %get3A_44 = arith.constant 0 : index
    %get3A_45 = arith.constant 0 : index
    %get3A_46 = vector.load %arg3[%get3A_43, %get3A_44, %get3A_45] : memref<1x1x512xf32, #tpu.memory_space<vmem>>, vector<1x1x512xf32>
    %sub3A_47 = vector.broadcast %mul3A_31 : vector<16x200x1xf32> to vector<16x200x256xf32>
    %sub3A_48 = arith.subf %add3A_12, %sub3A_47 : vector<16x200x256xf32>
    %mul3A_49 = vector.broadcast %rsqrt3A : vector<16x200x1xf32> to vector<16x200x256xf32>
    %mul3A_50 = arith.mulf %sub3A_48, %mul3A_49 : vector<16x200x256xf32>
    %slice3A_51 = vector.extract_strided_slice %get3A_42 {offsets = [0, 0, 0], sizes = [1, 1, 256], strides = [1, 1, 1]} : vector<1x1x512xf32> to vector<1x1x256xf32>
    %mul3A_52 = vector.broadcast %slice3A_51 : vector<1x1x256xf32> to vector<16x200x256xf32>
    %mul3A_53 = arith.mulf %mul3A_50, %mul3A_52 : vector<16x200x256xf32>
    %slice3A_54 = vector.extract_strided_slice %get3A_46 {offsets = [0, 0, 0], sizes = [1, 1, 256], strides = [1, 1, 1]} : vector<1x1x512xf32> to vector<1x1x256xf32>
    %add3A_55 = vector.broadcast %slice3A_54 : vector<1x1x256xf32> to vector<16x200x256xf32>
    %add3A_56 = arith.addf %mul3A_53, %add3A_55 : vector<16x200x256xf32>
    %swap3A = arith.constant 0 : index
    %swap3A_57 = arith.constant 0 : index
    %swap3A_58 = arith.constant 0 : index
    %swap3A_59 = vector.load %arg5[%swap3A, %swap3A_57, %swap3A_58] : memref<16x200x512xf32, #tpu.memory_space<vmem>>, vector<16x200x256xf32>
    tpu.vector_store %arg5[%swap3A, %swap3A_57, %swap3A_58], %add3A_56 {strides = array<i32>} : memref<16x200x512xf32, #tpu.memory_space<vmem>>, vector<16x200x256xf32>,
    %sub3A_60 = vector.broadcast %mul3A_31 : vector<16x200x1xf32> to vector<16x200x256xf32>
    %sub3A_61 = arith.subf %add3A_15, %sub3A_60 : vector<16x200x256xf32>
    %mul3A_62 = vector.broadcast %rsqrt3A : vector<16x200x1xf32> to vector<16x200x256xf32>
    %mul3A_63 = arith.mulf %sub3A_61, %mul3A_62 : vector<16x200x256xf32>
    %slice3A_64 = vector.extract_strided_slice %get3A_42 {offsets = [0, 0, 256], sizes = [1, 1, 256], strides = [1, 1, 1]} : vector<1x1x512xf32> to vector<1x1x256xf32>
    %mul3A_65 = vector.broadcast %slice3A_64 : vector<1x1x256xf32> to vector<16x200x256xf32>
    %mul3A_66 = arith.mulf %mul3A_63, %mul3A_65 : vector<16x200x256xf32>
    %slice3A_67 = vector.extract_strided_slice %get3A_46 {offsets = [0, 0, 256], sizes = [1, 1, 256], strides = [1, 1, 1]} : vector<1x1x512xf32> to vector<1x1x256xf32>
    %add3A_68 = vector.broadcast %slice3A_67 : vector<1x1x256xf32> to vector<16x200x256xf32>
    %add3A_69 = arith.addf %mul3A_66, %add3A_68 : vector<16x200x256xf32>
    %swap3A_70 = arith.constant 0 : index
    %swap3A_71 = arith.constant 0 : index
    %swap3A_72 = arith.constant 256 : index
    %swap3A_73 = vector.load %arg5[%swap3A_70, %swap3A_71, %swap3A_72] : memref<16x200x512xf32, #tpu.memory_space<vmem>>, vector<16x200x256xf32>
    tpu.vector_store %arg5[%swap3A_70, %swap3A_71, %swap3A_72], %add3A_69 {strides = array<i32>} : memref<16x200x512xf32, #tpu.memory_space<vmem>>, vector<16x200x256xf32>,
    return
  }
  func.func @transform_0(%arg0: i32) -> (i32, i32, i32) {
    %c0_i32 = arith.constant 0 : i32
    %c0_i32_0 = arith.constant 0 : i32
    %c0_i32_1 = arith.constant 0 : i32
    %c0_i32_2 = arith.constant 0 : i32
    return %c0_i32, %c0_i32_0, %c0_i32_1 : i32, i32, i32
  }
  func.func @transform_1(%arg0: i32) -> (i32, i32, i32) {
    %c0_i32 = arith.constant 0 : i32
    %c0_i32_0 = arith.constant 0 : i32
    %c0_i32_1 = arith.constant 0 : i32
    %c0_i32_2 = arith.constant 0 : i32
    return %c0_i32, %c0_i32_0, %c0_i32_1 : i32, i32, i32
  }
  func.func @transform_2(%arg0: i32) -> (i32, i32, i32) {
    %c0_i32 = arith.constant 0 : i32
    %c0_i32_0 = arith.constant 0 : i32
    %c0_i32_1 = arith.constant 0 : i32
    %c0_i32_2 = arith.constant 0 : i32
    return %c0_i32, %c0_i32_0, %c0_i32_1 : i32, i32, i32
  }
  func.func @transform_3(%arg0: i32) -> (i32, i32, i32) {
    %c0_i32 = arith.constant 0 : i32
    %c0_i32_0 = arith.constant 0 : i32
    %c0_i32_1 = arith.constant 0 : i32
    return %arg0, %c0_i32, %c0_i32_0 : i32, i32, i32
  }
  func.func @transform_4(%arg0: i32) -> (i32, i32, i32) {
    %c0_i32 = arith.constant 0 : i32
    %c0_i32_0 = arith.constant 0 : i32
    %c0_i32_1 = arith.constant 0 : i32
    return %arg0, %c0_i32, %c0_i32_0 : i32, i32, i32
  }
}

</mosaic_0001>

<sc_bundles>
// kernel: kernel.4.cloned.1.call-start
scs
__scs_entry_jumppad:
0x0: {  	(pc) =	sbr.rel $0x88, $3  }
0x1: {  	(tag) =	ssettag $0x0;
	lr =	simm.s32 $0x1  }
0x2: {  	[smem:$0x3F9C] =	sst lr;
	_ =	strace $0xD0000000  }
0x3: {  	_ = 	snop  }
0x4: {  	_ = 	snop  }
0x5: {  	_ = 	snop  }
0x6: {  	_ = 	snop  }
0x7: {  	_ = 	snop  }
__scs_overlays_trampoline_lowered:
0x8: {  	[smem:$0x3FAB] =	sst s0  }
0x9: {  	[smem:$0x3FAC] =	sst s1  }
0xa: {  	[smem:$0x3FAD] =	sst s2  }
0xb: {  	[smem:$0x3FAE] =	sst s3  }
0xc: {  	[smem:$0x3FAF] =	sst s4  }
0xd: {  	[smem:$0x3FB0] =	sst s5  }
0xe: {  	[smem:$0x3FB1] =	sst s6  }
0xf: {  	[smem:$0x3FB2] =	sst s7  }
0x10: {  	[smem:$0x3FB3] =	sst s8  }
0x11: {  	[smem:$0x3FB4] =	sst s9;
	s0 =	simm.s32 @!p0 $0x0  }
0x12: {  	s1 =	sld [smem:$0x3F9A];
	s0 =	simm.s32 @p0 $0x1  }
0x13: {  	[smem:$0x3FB5] =	sst s0;
	s0 =	simm.s32 @!p1 $0x0  }
0x14: {  	s2 =	sld [smem:$0x3F99];
	s0 =	simm.s32 @p1 $0x1  }
0x15: {  	[smem:$0x3FB6] =	sst s0;
	s0 =	simm.s32 @!p2 $0x0  }
0x16: {  	s3 =	sld [smem:$0x3FDB];
	s0 =	simm.s32 @p2 $0x1  }
0x17: {  	s4 =	simm.s32 $0x1BF5;
	[smem:$0x3FB8] =	sst s0  }
0x18: {  	s0 =	sld [smem:$0x3F9B];
	_ =	swait.ge [sflag:s4], $0x0  }
0x19: {  	s7 =	sld [smem:$0x3F9C]  }
0x1a: {  	s8 =	sadd.s32 $0xFFFFE003, lr  }
0x1b: {  	s9 =	sadd.s32 $0xFFFFFEF7, lr;
	s5 =	simm.s32 $0xFFFFFFFF;
	p2 =	slt.u32 s8, $0xFFFFF086  }
0x1c: {  	p1 =	slt.u32 s9, $0xF7A;
	s5 =	simm.s32 @!p2 $0x0  }
0x1d: {  	s5 =	simm.s32 @p1 $0x1;
	p0 =	seq.s32 s7, s2  }
0x1e: {  	s7 =	smul.u32 @!p0 $0xF7A, s2;
	p2 =	seq.s32 @!p0 s5, $0x0  }
0x1f: {  	s9 =	smul.u32 $0xF7A, s1;
	s8 =	simm.s32 @!p0 $0x1BF5;
	p2 =	por !p2, p0  }
0x20: {  	[sflag:s8] =	ssyncset.s32 @!p0 $0xFFFFF086;
	s6 =	sadd.s32 @!p0 s3, s7;
	s7 =	simm.s32 @!p0 $0x108  }
0x21: {  	s3 =	sadd.s32 s3, s9;
	s6 =	sadd.s32 @!p0 $0x88, s6;
	s7 =	simm.s32 @p2 $0x1082  }
0x22: {  	[simem:s7], [sflag:s8] =	dma.local @!p0 [hbm:s6], $0xF7A  }
0x23: {  	s9 =	sor.u32 $0xD0000000, s2;
	s6 =	simm.s32 $0x108;
	_ =	swait.ge @!p0 [sflag:s8], $0x0  }
0x24: {  	s3 =	sadd.s32 $0x88, s3;
	s6 =	simm.s32 @!p1 $0x1082;
	[sflag:s4] =	ssyncset.s32 $0xFFFFF086  }
0x25: {  	[simem:s6], [sflag:s4] =	dma.local [hbm:s3], $0xF7A  }
0x26: {  	[smem:$0x3F9C] =	sst s1;
	(tag) =	ssettag s2;
	_ =	strace s9  }
0x27: {  	s1 =	sld [smem:$0x3FAC]  }
0x28: {  	s2 =	sld [smem:$0x3FAD]  }
0x29: {  	s4 =	sld [smem:$0x3FAF]  }
0x2a: {  	p0 =	seq.s32 s5, $0x0;
	s5 =	sld [smem:$0x3FB0]  }
0x2b: {  	s6 =	sld [smem:$0x3FB1]  }
0x2c: {  	s7 =	sld [smem:$0x3FB2]  }
0x2d: {  	s3 =	simm.s32 $0x108;
	s8 =	sld [smem:$0x3FB3]  }
0x2e: {  	s3 =	simm.s32 @!p0 $0x1082;
	s9 =	sld [smem:$0x3FB4]  }
0x2f: {  	lr =	sadd.s32 s0, s3;
	s0 =	sld [smem:$0x3FAB]  }
0x30: {  	s3 =	sld [smem:$0x3FAE]  }
0x31: {  	[smem:$0x3FB7] =	sst s10  }
0x32: {  	s10 =	sld [smem:$0x3FB5];
	_ =	sdelay $0x3  }
0x33: {  	p0 =	seq.s32 s10, $0x1;
	s10 =	sld [smem:$0x3FB7];
	_ =	sdelay $0x3  }
0x34: {  	[smem:$0x3FB7] =	sst s10  }
0x35: {  	s10 =	sld [smem:$0x3FB6];
	_ =	sdelay $0x3  }
0x36: {  	p1 =	seq.s32 s10, $0x1;
	s10 =	sld [smem:$0x3FB7];
	_ =	sdelay $0x3  }
0x37: {  	[smem:$0x3FB7] =	sst s10  }
0x38: {  	s10 =	sld [smem:$0x3FB8]  }
0x39: {  	_ = 	snop;
	(pc) =	sbr.ind lr, $3  }
0x3a: {  	_ = 	snop  }
0x3b: {  	_ = 	snop  }
0x3c: {  	p2 =	seq.s32 s10, $0x1;
	s10 =	sld [smem:$0x3FB7]  }
0x3d: {  	_ =	shalt  }
0x3e: {  	_ =	shalt  }
0x3f: {  	_ =	shalt  }
0x40: {  	_ =	shalt  }
0x41: {  	_ =	shalt  }
0x42: {  	_ =	shalt  }
0x43: {  	_ =	shalt  }
0x44: {  	_ =	shalt  }
0x45: {  	_ =	shalt  }
0x46: {  	_ =	shalt  }
0x47: {  	_ =	shalt  }
0x48: {  	_ =	shalt  }
0x49: {  	_ =	shalt  }
0x4a: {  	_ =	shalt  }
0x4b: {  	_ =	shalt  }
0x4c: {  	_ =	shalt  }
0x4d: {  	_ =	shalt  }
0x4e: {  	_ =	shalt  }
0x4f: {  	_ =	shalt  }
0x50: {  	_ =	shalt  }
0x51: {  	_ =	shalt  }
0x52: {  	_ =	shalt  }
0x53: {  	_ =	shalt  }
0x54: {  	_ =	shalt  }
0x55: {  	_ =	shalt  }
0x56: {  	_ =	shalt  }
0x57: {  	_ =	shalt  }
0x58: {  	_ =	shalt  }
0x59: {  	_ =	shalt  }
0x5a: {  	_ =	shalt  }
0x5b: {  	_ =	shalt  }
0x5c: {  	_ =	shalt  }
0x5d: {  	_ =	shalt  }
0x5e: {  	_ =	shalt  }
0x5f: {  	_ =	shalt  }
0x60: {  	_ =	shalt  }
0x61: {  	_ =	shalt  }
0x62: {  	_ =	shalt  }
0x63: {  	_ =	shalt  }
0x64: {  	_ =	shalt  }
0x65: {  	_ =	shalt  }
0x66: {  	_ =	shalt  }
0x67: {  	_ =	shalt  }
0x68: {  	_ =	shalt  }
0x69: {  	_ =	shalt  }
0x6a: {  	_ =	shalt  }
0x6b: {  	_ =	shalt  }
0x6c: {  	_ =	shalt  }
0x6d: {  	_ =	shalt  }
0x6e: {  	_ =	shalt  }
0x6f: {  	_ =	shalt  }
0x70: {  	_ =	shalt  }
0x71: {  	_ =	shalt  }
0x72: {  	_ =	shalt  }
0x73: {  	_ =	shalt  }
0x74: {  	_ =	shalt  }
0x75: {  	_ =	shalt  }
0x76: {  	_ =	shalt  }
0x77: {  	_ =	shalt  }
0x78: {  	_ =	shalt  }
0x79: {  	_ =	shalt  }
0x7a: {  	_ =	shalt  }
0x7b: {  	_ =	shalt  }
0x7c: {  	_ =	shalt  }
0x7d: {  	_ =	shalt  }
0x7e: {  	_ =	shalt  }
0x7f: {  	_ =	shalt  }
0x80: {  	_ =	shalt  }
0x81: {  	_ =	shalt  }
0x82: {  	_ =	shalt  }
0x83: {  	_ =	shalt  }
0x84: {  	_ =	shalt  }
0x85: {  	_ =	shalt  }
0x86: {  	_ =	shalt  }
0x87: {  	_ =	shalt  }
.Lfunc_end0:
.L_simem_size_0:
called_computation_lowered:
.L_overlay_start_0:
0x88: {  	s2 =	sld [smem:$0x3FD9]  }
0x89: {  	s3 =	sld [smem:$0x3FFE];
	_ =	sdelay $0x1  }
0x8a: {  	s1 =	srdreg.scid  }
0x8b: {  	s0 =	sand.u32 $0x1, s1  }
0x8c: {  	s16 =	sshll.u32 s0, $0xA;
	s2 =	sadd.s32 s3, s2  }
0x8d: {  	s2 =	sadd.s32 s2, s16  }
0x8e: {  	[smem:$0x3FC3] =	sst s2  }
0x8f: {  	_ = 	snop  }
0x90: {  	(tm) =	ssettm $0x1  }
0x91: {  	s17 =	sld [smem:$0x3FFB];
	_ =	sdelay $0x3  }
0x92: {  	_ =	strace s17  }
0x93: {  	s2 =	sld [smem:$0x3FFC];
	_ =	sdelay $0x3  }
0x94: {  	_ =	strace s2  }
0x95: {  	s2 =	sld [smem:$0x3FFD];
	_ =	sdelay $0x3  }
0x96: {  	_ =	strace s2  }
0x97: {  	_ =	strace $0x8FFFFFFF  }
0x98: {  	s18 =	sld [smem:$0x3FDB];
	_ =	sdelay $0x1  }
0x99: {  	s19 =	simm.s32 $_scs_section_size  }
0x9a: {  	s4 =	simm.s32 $_size__tile_overlayer_lowered;
	s5 =	simm.s32 $_tile_overlayer_lowered  }
0x9b: {  	s22 =	simm.s32 $0x1BFF;
	s21 =	sshll.u32 s5, $0x1;
	s2 =	sadd.s32 s19, s18  }
0x9c: {  	s6 =	simm.s32 $0x0;
	s20 =	sshll.u32 s4, $0x1;
	s4 =	sadd.s32 s21, s2  }
0x9d: {  	[timem:s6], [sflag:s22] =	dma.local [hbm:s4], s20  }
0x9e: {  	_ =	swait.ge [sflag:s22], s20  }
0x9f: {  	s3 =	ssub.s32 $0x0, s20;
	[sflag:s22] =	ssyncset.done $0x0  }
0xa0: {  	[sflag:s22] =	ssyncadd.s32 s3;
	_ =	sdelay $0x1  }
0xa1: {  	s23 =	simm.s32 $0x1B8B  }
0xa2: {  	_ =	swait.ge [sflag:s23], $0x1  }
0xa3: {  	[sflag:s23] =	ssyncset.done $0x0  }
0xa4: {  	s25 =	simm.s32 $0x1B8E;
	s24 =	sld [smem:$0x3FFE];
	[sflag:s23] =	ssyncadd.s32 $0xFFFFFFFF  }
0xa5: {  	s26 =	simm.s32 $execute0_lowered;
	[smem:$0x3FD2] =	sst s25  }
0xa6: {  	s4 =	sshll.u32 s26, $0x1;
	_ =	strace $0x80000046;
	[dreg:$0x1] =	wrdreg $0xFFFFFFFF  }
0xa7: {  	s28 =	simm.s32 $_size_execute0_lowered;
	s2 =	sadd.s32 s2, s4;
	[dreg:$0x0] =	wrdreg $0x0  }
0xa8: {  	s4 =	sshll.u32 s28, $0x1;
	[dreg:$0x2] =	wrdreg s2  }
0xa9: {  	[dreg:$0x3] =	wrdreg s4  }
0xaa: {  	[dreg:$0x4] =	wrdreg $0xC0  }
0xab: {  	_ =	task [dreg:s6], $0x5FFFF  }
0xac: {  	[dreg:$0x1] =	wrdreg $0xFFFFFFFF  }
0xad: {  	[dreg:$0x0] =	wrdreg $0x60  }
0xae: {  	[dreg:$0x2] =	wrdreg s24  }
0xaf: {  	[dreg:$0x3] =	wrdreg $0x9  }
0xb0: {  	_ =	task.clear_ibuf [dreg:s6], $0x4FFFF;
	_ =	strace $0x90000046  }
0xb1: {  	s29 =	simm.s32 $0x9;
	_ =	strace $0x80000048  }
0xb2: {  	_ =	swait.ge [sflag:s29], $0x1  }
0xb3: {  	[sflag:s29] =	ssyncadd.s32 $0xFFFFFFFF  }
0xb4: {  	_ =	strace $0x90000048  }
0xb5: {  	_ =	sfence  }
0xb6: {  	s30 =	sld [smem:$0x0];
	_ =	sdelay $0x2  }
0xb7: {  	s31 =	sshll.u32 s1, $0xD;
	s1 =	sshrl.u32 s1, $0x2  }
0xb8: {  	s3 =	sand.u32 $0x4000, s31;
	s1 =	sadd.s32 s1, s30  }
0xb9: {  	s0 =	sor.u32 s3, s0;
	s1 =	sshll.u32 s1, $0x11  }
0xba: {  	s0 =	sor.u32 s1, s0  }
0xbb: {  	s0 =	sadd.s32 $0x8F2B, s0  }
0xbc: {  	[sflag:s0] =	ssyncadd.remote.s32 $0x1  }
0xbd: {  	_ =	sfence.sel $0xFFFF  }
0xbe: {  	[dreg:$0x0] =	wrdreg $0xFFFFFFFF;
	(pc) =	sbr.abs _section_cstart, $3  }
0xbf: {  	[dreg:$0x1] =	wrdreg $0xFFFFFFFF  }
0xc0: {  	_ =	task.clear_ibuf [dreg:s6], $0x2FFFF;
	_ =	strace $0x9FFFFFFF  }
0xc1: {  	(tm) =	ssettm $0x7FFFFFFF  }
tec
execute0_lowered:
.L_overlay_start_1:
0x0: {  	(tag) =	ssettag $0x1  }
0x1: {  	s3 =	rddreg [dreg:$0x0];
	s2 =	simm.s32 $0x0  }
0x2: {  	s7 =	simm.s32 $0xD000;
	[smem:$0x7FF] =	sst s2  }
0x3: {  	s8 =	simm.s32 $0xD800;
	_ =	strace $0x80000047;
	[dreg:$0x3] =	wrdreg s7  }
0x4: {  	s0 =	srdreg.scid;
	s9 =	simm.s32 $0xE000;
	[dreg:$0x4] =	wrdreg s8  }
0x5: {  	s4 =	stileid.u32;
	s10 =	simm.s32 $0xE800;
	[dreg:$0x5] =	wrdreg s9  }
0x6: {  	s11 =	simm.s32 $0xF800;
	s12 =	simm.s32 $0x10000;
	[dreg:$0x6] =	wrdreg s10  }
0x7: {  	s13 =	simm.s32 $0x10800;
	s14 =	simm.s32 $0x11000;
	[dreg:$0x7] =	wrdreg s11  }
0x8: {  	s15 =	simm.s32 $0x12000;
	s16 =	simm.s32 $0x12800;
	[dreg:$0x8] =	wrdreg s12  }
0x9: {  	s17 =	simm.s32 $0x13000;
	s18 =	simm.s32 $0x13800;
	[dreg:$0x9] =	wrdreg s13  }
0xa: {  	s19 =	simm.s32 $0x14800;
	s20 =	simm.s32 $0x15000;
	[dreg:$0xa] =	wrdreg s14  }
0xb: {  	s21 =	simm.s32 $0x15800;
	s22 =	simm.s32 $0x16000;
	[dreg:$0xb] =	wrdreg s15  }
0xc: {  	s23 =	simm.s32 $0x17000;
	s24 =	simm.s32 $0x17800;
	[dreg:$0xc] =	wrdreg s16  }
0xd: {  	s25 =	simm.s32 $0x18000;
	s26 =	simm.s32 $0x18800;
	[dreg:$0xd] =	wrdreg s17  }
0xe: {  	s28 =	simm.s32 $0x3;
	s29 =	simm.s32 $0x14000;
	[dreg:$0xe] =	wrdreg s18  }
0xf: {  	s30 =	simm.s32 $0x4;
	s31 =	simm.s32 $0x16800;
	[dreg:$0xf] =	wrdreg s19  }
0x10: {  	s0 =	sand.u32 $0x1, s0;
	s1 =	sshll.u32 s4, $0x1;
	[dreg:$0x10] =	wrdreg s20  }
0x11: {  	s4 =	smul.u32 $0x64000, s4;
	s1 =	sor.u32 s0, s1;
	[dreg:$0x11] =	wrdreg s21  }
0x12: {  	s5 =	smul.u32 $0x32000, s0;
	s0 =	ssub.s32 $0x2, s0;
	[dreg:$0x12] =	wrdreg s22  }
0x13: {  	s7 =	simm.s32 $0x5000;
	s12 =	simm.s32 $0x7800;
	[dreg:$0x13] =	wrdreg s23  }
0x14: {  	s17 =	simm.s32 $0xA000;
	s22 =	simm.s32 $0xC800;
	[dreg:$0x14] =	wrdreg s24  }
0x15: {  	s23 =	simm.s32 $0x1;
	[dreg:$0x15] =	wrdreg s25;
	s24 =	simm.s32 $0xF000  }
0x16: {  	[dreg:$0x16] =	wrdreg s26;
	s25 =	simm.s32 $0x2;
	s26 =	simm.s32 $0x11800  }
0x17: {  	s8 =	simm.s32 $0x6;
	s9 =	simm.s32 $0xA;
	s10 =	simm.s32 $0x7  }
0x18: {  	s11 =	simm.s32 $0xB;
	s13 =	simm.s32 $0x8;
	s16 =	simm.s32 $0xE  }
0x19: {  	s18 =	simm.s32 $0xF;
	s19 =	simm.s32 $0x10;
	s4 =	sadd.s32 s4, s3  }
0x1a: {  	s1 =	smul.u32 $0xA00, s1;
	s6 =	sshrl.u32 s0, $0x1;
	s4 =	sadd.s32 s5, s4  }
0x1b: {  	s20 =	simm.s32 $0x0;
	s0 =	ssub.s32 s0, s6;
	s4 =	sadd.s32 $0x19D400, s4  }
0x1c: {  	v2 =	vlaneseq.u32;
	s1 =	sadd.s32 s1, s3;
	s0 =	smax.u32 s0, $0x1;
	[dreg:$0x2] =	wrdreg s4  }
0x1d: {  	vm0 =	vmmov $0xffff;
	v1 =	vshrl.u32 v2, $0x3;
	s3 =	sadd.s32 $0x14800, s3;
	s1 =	sadd.s32 $0x800, s1;
	[dreg:$0x18] =	wrdreg s0  }
0x1e: {  	v0 =	vand.u32 $0x7, v2;
	v2 =	vor.u32 $0x8, v2;
	v1 =	vmul.u32 $0x8, v1;
	s0 =	simm.s32 $0x9;
	[dreg:$0x17] =	wrdreg s1;
	s1 =	simm.s32 $0x5  }
.LBB2_1:
0x1f: {  	s4 =	rddreg [dreg:$0x17];
	s14 =	simm.s32 $0x11  }
0x20: {  	[tilespmem:s2], [sflag:$0x11] =	stream.linear.gather [hbm4b:s4+s2], $0x5000, $0x38;
	[tilespmem:$0x19000] =	vst v63  }
0x21: {  	_ =	swait.ge [sflag:s14], $0x5000  }
0x22: {  	[sflag:s14] =	ssyncset.done $0x0  }
0x23: {  	[sflag:s14] =	ssyncadd.s32 $0xFFFFB000  }
0x24: {  	v3 =	vld [tilespmem:$0x0];
	_ =	sdelay $0x4  }
0x25: {  	v4 =	vshll.u32 v3, $0x1  }
0x26: {  	v3 =	vand.u32 $0x7, v3;
	v4 =	vand.u32 $0xFFFFFFF0, v4  }
0x27: {  	v3 =	vor.u32 v3, v4  }
0x28: {  	v4 =	vperm.xlane v3, v0;
	_ =	sdelay $0x1  }
0x29: {  	v3 =	vperm.xlane v3, v2;
	v4 =	vadd.s32 v1, v4;
	_ =	sdelay $0x1  }
0x2a: {  	v3 =	vadd.s32 v1, v3;
	_ =	sdelay $0x2  }
0x2b: {  	[tilespmem:s7], [sflag:$0x1] =	stream.indirect_vreg.gather [hbm4b:s3+s2], $0x80, v4, vm0, $0xb8;
	[tilespmem:$0x19000] =	vst v63  }
0x2c: {  	s15 =	simm.s32 $0x5800  }
0x2d: {  	[tilespmem:s15], [sflag:$0x1] =	stream.indirect_vreg.gather [hbm4b:s3+s2], $0x80, v3, vm0, $0xb8;
	[tilespmem:$0x19000] =	vst v63  }
0x2e: {  	v3 =	vld [tilespmem:$0x10];
	_ =	sdelay $0x4  }
0x2f: {  	v56 =	vshll.u32 v3, $0x1  }
0x30: {  	v3 =	vand.u32 $0x7, v3;
	v4 =	vand.u32 $0xFFFFFFF0, v56  }
0x31: {  	v3 =	vor.u32 v3, v4  }
0x32: {  	v4 =	vperm.xlane v3, v0;
	_ =	sdelay $0x1  }
0x33: {  	v3 =	vperm.xlane v3, v2;
	v4 =	vadd.s32 v1, v4;
	_ =	sdelay $0x1  }
0x34: {  	v3 =	vadd.s32 v1, v3;
	_ =	sdelay $0x1  }
0x35: {  	s21 =	simm.s32 $0x6000  }
0x36: {  	[tilespmem:s21], [sflag:$0x1] =	stream.indirect_vreg.gather [hbm4b:s3+s2], $0x80, v4, vm0, $0xb8;
	[tilespmem:$0x19000] =	vst v63  }
0x37: {  	s5 =	simm.s32 $0x6800  }
0x38: {  	[tilespmem:s5], [sflag:$0x1] =	stream.indirect_vreg.gather [hbm4b:s3+s2], $0x80, v3, vm0, $0xb8;
	[tilespmem:$0x19000] =	vst v63  }
0x39: {  	v3 =	vld.msk [tilespmem:$0x20], $0xff;
	_ =	sdelay $0x4  }
0x3a: {  	v57 =	vshll.u32 v3, $0x1  }
0x3b: {  	v3 =	vand.u32 $0x7, v3;
	v4 =	vand.u32 $0xFFFFFFF0, v57  }
0x3c: {  	v3 =	vor.u32 v3, v4  }
0x3d: {  	v3 =	vperm.xlane v3, v0;
	_ =	sdelay $0x1  }
0x3e: {  	v3 =	vadd.s32 v1, v3;
	_ =	sdelay $0x3  }
0x3f: {  	s6 =	simm.s32 $0x7000  }
0x40: {  	[tilespmem:s6], [sflag:$0x1] =	stream.indirect_vreg.gather [hbm4b:s3+s2], $0x80, v3, vm0, $0xb8;
	[tilespmem:$0x19000] =	vst v63  }
0x41: {  	v3 =	vld [tilespmem:$0x80];
	_ =	sdelay $0x4  }
0x42: {  	v58 =	vshll.u32 v3, $0x1  }
0x43: {  	v3 =	vand.u32 $0x7, v3;
	v4 =	vand.u32 $0xFFFFFFF0, v58  }
0x44: {  	v3 =	vor.u32 v3, v4  }
0x45: {  	v4 =	vperm.xlane v3, v0;
	_ =	sdelay $0x1  }
0x46: {  	v3 =	vperm.xlane v3, v2;
	v4 =	vadd.s32 v1, v4;
	_ =	sdelay $0x1  }
0x47: {  	v3 =	vadd.s32 v1, v3;
	_ =	sdelay $0x2  }
0x48: {  	[tilespmem:s12], [sflag:$0x2] =	stream.indirect_vreg.gather [hbm4b:s3+s2], $0x80, v4, vm0, $0xb8;
	[tilespmem:$0x19000] =	vst v63  }
0x49: {  	s14 =	simm.s32 $0x8000  }
0x4a: {  	[tilespmem:s14], [sflag:$0x2] =	stream.indirect_vreg.gather [hbm4b:s3+s2], $0x80, v3, vm0, $0xb8;
	[tilespmem:$0x19000] =	vst v63  }
0x4b: {  	v3 =	vld [tilespmem:$0x90];
	_ =	sdelay $0x4  }
0x4c: {  	v59 =	vshll.u32 v3, $0x1  }
0x4d: {  	v3 =	vand.u32 $0x7, v3;
	v4 =	vand.u32 $0xFFFFFFF0, v59  }
0x4e: {  	v3 =	vor.u32 v3, v4  }
0x4f: {  	v4 =	vperm.xlane v3, v0;
	_ =	sdelay $0x1  }
0x50: {  	v3 =	vperm.xlane v3, v2;
	v4 =	vadd.s32 v1, v4;
	_ =	sdelay $0x1  }
0x51: {  	v3 =	vadd.s32 v1, v3;
	_ =	sdelay $0x1  }
0x52: {  	s15 =	simm.s32 $0x8800  }
0x53: {  	[tilespmem:s15], [sflag:$0x2] =	stream.indirect_vreg.gather [hbm4b:s3+s2], $0x80, v4, vm0, $0xb8;
	[tilespmem:$0x19000] =	vst v63  }
0x54: {  	s21 =	simm.s32 $0x9000  }
0x55: {  	[tilespmem:s21], [sflag:$0x2] =	stream.indirect_vreg.gather [hbm4b:s3+s2], $0x80, v3, vm0, $0xb8;
	[tilespmem:$0x19000] =	vst v63  }
0x56: {  	v3 =	vld.msk [tilespmem:$0xA0], $0xff;
	_ =	sdelay $0x4  }
0x57: {  	v60 =	vshll.u32 v3, $0x1  }
0x58: {  	v3 =	vand.u32 $0x7, v3;
	v4 =	vand.u32 $0xFFFFFFF0, v60  }
0x59: {  	v3 =	vor.u32 v3, v4  }
0x5a: {  	v3 =	vperm.xlane v3, v0;
	_ =	sdelay $0x1  }
0x5b: {  	v3 =	vadd.s32 v1, v3;
	_ =	sdelay $0x3  }
0x5c: {  	s5 =	simm.s32 $0x9800  }
0x5d: {  	[tilespmem:s5], [sflag:$0x2] =	stream.indirect_vreg.gather [hbm4b:s3+s2], $0x80, v3, vm0, $0xb8;
	[tilespmem:$0x19000] =	vst v63  }
0x5e: {  	v3 =	vld [tilespmem:$0x100];
	_ =	sdelay $0x4  }
0x5f: {  	v61 =	vshll.u32 v3, $0x1  }
0x60: {  	v3 =	vand.u32 $0x7, v3;
	v4 =	vand.u32 $0xFFFFFFF0, v61  }
0x61: {  	v3 =	vor.u32 v3, v4  }
0x62: {  	v4 =	vperm.xlane v3, v0;
	_ =	sdelay $0x1  }
0x63: {  	v3 =	vperm.xlane v3, v2;
	v4 =	vadd.s32 v1, v4;
	_ =	sdelay $0x1  }
0x64: {  	v3 =	vadd.s32 v1, v3;
	_ =	sdelay $0x2  }
0x65: {  	[tilespmem:s17], [sflag:$0x3] =	stream.indirect_vreg.gather [hbm4b:s3+s2], $0x80, v4, vm0, $0xb8;
	[tilespmem:$0x19000] =	vst v63  }
0x66: {  	s6 =	simm.s32 $0xA800  }
0x67: {  	[tilespmem:s6], [sflag:$0x3] =	stream.indirect_vreg.gather [hbm4b:s3+s2], $0x80, v3, vm0, $0xb8;
	[tilespmem:$0x19000] =	vst v63  }
0x68: {  	v3 =	vld [tilespmem:$0x110];
	_ =	sdelay $0x4  }
0x69: {  	v62 =	vshll.u32 v3, $0x1  }
0x6a: {  	v3 =	vand.u32 $0x7, v3;
	v4 =	vand.u32 $0xFFFFFFF0, v62  }
0x6b: {  	v3 =	vor.u32 v3, v4  }
0x6c: {  	v4 =	vperm.xlane v3, v0;
	_ =	sdelay $0x1  }
0x6d: {  	v3 =	vperm.xlane v3, v2;
	v4 =	vadd.s32 v1, v4;
	_ =	sdelay $0x1  }
0x6e: {  	v3 =	vadd.s32 v1, v3;
	_ =	sdelay $0x1  }
0x6f: {  	s14 =	simm.s32 $0xB000  }
0x70: {  	[tilespmem:s14], [sflag:$0x3] =	stream.indirect_vreg.gather [hbm4b:s3+s2], $0x80, v4, vm0, $0xb8;
	[tilespmem:$0x19000] =	vst v63  }
0x71: {  	s15 =	simm.s32 $0xB800  }
0x72: {  	[tilespmem:s15], [sflag:$0x3] =	stream.indirect_vreg.gather [hbm4b:s3+s2], $0x80, v3, vm0, $0xb8;
	[tilespmem:$0x19000] =	vst v63  }
0x73: {  	v3 =	vld.msk [tilespmem:$0x120], $0xff;
	_ =	sdelay $0x4  }
0x74: {  	v63 =	vshll.u32 v3, $0x1  }
0x75: {  	v3 =	vand.u32 $0x7, v3;
	v4 =	vand.u32 $0xFFFFFFF0, v63  }
0x76: {  	v3 =	vor.u32 v3, v4  }
0x77: {  	v3 =	vperm.xlane v3, v0;
	_ =	sdelay $0x1  }
0x78: {  	v3 =	vadd.s32 v1, v3;
	_ =	sdelay $0x3  }
0x79: {  	s21 =	simm.s32 $0xC000  }
0x7a: {  	[tilespmem:s21], [sflag:$0x3] =	stream.indirect_vreg.gather [hbm4b:s3+s2], $0x80, v3, vm0, $0xb8;
	[tilespmem:$0x19000] =	vst v63  }
0x7b: {  	s4 =	simm.s32 $0x3;
	s5 =	simm.s32 $0x0;
	s21 =	simm.s32 $0x290  }
.LBB2_2:
0x7c: {  	p0 =	seq.s32 s5, $0x0  }
0x7d: {  	s6 =	simm.s32 @!p0 $0xC  }
0x7e: {  	_ =	swait.ge @!p0 [sflag:s6], $0x2800  }
0x7f: {  	[sflag:s6] =	ssyncset.done @!p0 $0x0  }
0x80: {  	[sflag:s6] =	ssyncadd.s32 @!p0 $0xFFFFD800  }
0x81: {  	v3 =	vld [tilespmem:s21+$0xFFFFFEF0];
	_ =	sdelay $0x4  }
0x82: {  	v4 =	vshll.u32 v3, $0x1  }
0x83: {  	v3 =	vand.u32 $0x7, v3;
	v4 =	vand.u32 $0xFFFFFFF0, v4  }
0x84: {  	v3 =	vor.u32 v3, v4  }
0x85: {  	v4 =	vperm.xlane v3, v0;
	_ =	sdelay $0x1  }
0x86: {  	v3 =	vperm.xlane v3, v2;
	v4 =	vadd.s32 v1, v4;
	_ =	sdelay $0x1  }
0x87: {  	v3 =	vadd.s32 v1, v3;
	_ =	sdelay $0x2  }
0x88: {  	[tilespmem:s22], [sflag:$0x4] =	stream.indirect_vreg.gather [hbm4b:s3+s2], $0x80, v4, vm0, $0xb8;
	[tilespmem:$0x19000] =	vst v63  }
0x89: {  	s14 =	rddreg [dreg:$0x3]  }
0x8a: {  	[tilespmem:s14], [sflag:$0x4] =	stream.indirect_vreg.gather [hbm4b:s3+s2], $0x80, v3, vm0, $0xb8;
	[tilespmem:$0x19000] =	vst v63  }
0x8b: {  	v3 =	vld [tilespmem:s21+$0xFFFFFF00];
	_ =	sdelay $0x4  }
0x8c: {  	v50 =	vshll.u32 v3, $0x1  }
0x8d: {  	v3 =	vand.u32 $0x7, v3;
	v4 =	vand.u32 $0xFFFFFFF0, v50  }
0x8e: {  	v3 =	vor.u32 v3, v4  }
0x8f: {  	v4 =	vperm.xlane v3, v0;
	_ =	sdelay $0x1  }
0x90: {  	v3 =	vperm.xlane v3, v2;
	v4 =	vadd.s32 v1, v4;
	_ =	sdelay $0x1  }
0x91: {  	v3 =	vadd.s32 v1, v3;
	_ =	sdelay $0x1  }
0x92: {  	s15 =	rddreg [dreg:$0x4]  }
0x93: {  	[tilespmem:s15], [sflag:$0x4] =	stream.indirect_vreg.gather [hbm4b:s3+s2], $0x80, v4, vm0, $0xb8;
	[tilespmem:$0x19000] =	vst v63  }
0x94: {  	s14 =	rddreg [dreg:$0x5]  }
0x95: {  	[tilespmem:s14], [sflag:$0x4] =	stream.indirect_vreg.gather [hbm4b:s3+s2], $0x80, v3, vm0, $0xb8;
	[tilespmem:$0x19000] =	vst v63  }
0x96: {  	v3 =	vld.msk [tilespmem:s21+$0xFFFFFF10], $0xff;
	_ =	sdelay $0x4  }
0x97: {  	v51 =	vshll.u32 v3, $0x1  }
0x98: {  	v3 =	vand.u32 $0x7, v3;
	v4 =	vand.u32 $0xFFFFFFF0, v51  }
0x99: {  	v3 =	vor.u32 v3, v4  }
0x9a: {  	v3 =	vperm.xlane v3, v0;
	_ =	sdelay $0x1  }
0x9b: {  	v3 =	vadd.s32 v1, v3;
	_ =	sdelay $0x3  }
0x9c: {  	s15 =	rddreg [dreg:$0x6]  }
0x9d: {  	[tilespmem:s15], [sflag:$0x4] =	stream.indirect_vreg.gather [hbm4b:s3+s2], $0x80, v3, vm0, $0xb8;
	[tilespmem:$0x19000] =	vst v63  }
0x9e: {  	_ =	swait.ge [sflag:s23], $0x2800  }
0x9f: {  	s14 =	rddreg [dreg:$0x2];
	[sflag:s23] =	ssyncset.done $0x0  }
0xa0: {  	[sflag:s23] =	ssyncadd.s32 $0xFFFFD800;
	s6 =	sadd.s32 s5, s14;
	s14 =	simm.s32 @!p0 $0xD  }
0xa1: {  	[hbm4b:s6+s2] =	stream.linear.scatter [tilespmem:s7], [sflag:$0x9], $0x2800, $0x38;
	[tilespmem:$0x19000] =	vst v63  }
0xa2: {  	_ =	swait.ge @!p0 [sflag:s14], $0x2800  }
0xa3: {  	[sflag:s14] =	ssyncset.done @!p0 $0x0  }
0xa4: {  	[sflag:s14] =	ssyncadd.s32 @!p0 $0xFFFFD800  }
0xa5: {  	v3 =	vld [tilespmem:s21+$0xFFFFFF70];
	_ =	sdelay $0x4  }
0xa6: {  	v52 =	vshll.u32 v3, $0x1  }
0xa7: {  	v3 =	vand.u32 $0x7, v3;
	v4 =	vand.u32 $0xFFFFFFF0, v52  }
0xa8: {  	v3 =	vor.u32 v3, v4  }
0xa9: {  	v4 =	vperm.xlane v3, v0;
	_ =	sdelay $0x1  }
0xaa: {  	v3 =	vperm.xlane v3, v2;
	v4 =	vadd.s32 v1, v4;
	_ =	sdelay $0x1  }
0xab: {  	v3 =	vadd.s32 v1, v3;
	_ =	sdelay $0x2  }
0xac: {  	[tilespmem:s24], [sflag:$0x5] =	stream.indirect_vreg.gather [hbm4b:s3+s2], $0x80, v4, vm0, $0xb8;
	[tilespmem:$0x19000] =	vst v63  }
0xad: {  	s15 =	rddreg [dreg:$0x7]  }
0xae: {  	[tilespmem:s15], [sflag:$0x5] =	stream.indirect_vreg.gather [hbm4b:s3+s2], $0x80, v3, vm0, $0xb8;
	[tilespmem:$0x19000] =	vst v63  }
0xaf: {  	v3 =	vld [tilespmem:s21+$0xFFFFFF80];
	_ =	sdelay $0x4  }
0xb0: {  	v53 =	vshll.u32 v3, $0x1  }
0xb1: {  	v3 =	vand.u32 $0x7, v3;
	v4 =	vand.u32 $0xFFFFFFF0, v53  }
0xb2: {  	v3 =	vor.u32 v3, v4  }
0xb3: {  	v4 =	vperm.xlane v3, v0;
	_ =	sdelay $0x1  }
0xb4: {  	v3 =	vperm.xlane v3, v2;
	v4 =	vadd.s32 v1, v4;
	_ =	sdelay $0x1  }
0xb5: {  	v3 =	vadd.s32 v1, v3;
	_ =	sdelay $0x1  }
0xb6: {  	s14 =	rddreg [dreg:$0x8]  }
0xb7: {  	[tilespmem:s14], [sflag:$0x5] =	stream.indirect_vreg.gather [hbm4b:s3+s2], $0x80, v4, vm0, $0xb8;
	[tilespmem:$0x19000] =	vst v63  }
0xb8: {  	s15 =	rddreg [dreg:$0x9]  }
0xb9: {  	[tilespmem:s15], [sflag:$0x5] =	stream.indirect_vreg.gather [hbm4b:s3+s2], $0x80, v3, vm0, $0xb8;
	[tilespmem:$0x19000] =	vst v63  }
0xba: {  	v3 =	vld.msk [tilespmem:s21+$0xFFFFFF90], $0xff;
	_ =	sdelay $0x4  }
0xbb: {  	v54 =	vshll.u32 v3, $0x1  }
0xbc: {  	v3 =	vand.u32 $0x7, v3;
	v4 =	vand.u32 $0xFFFFFFF0, v54  }
0xbd: {  	v3 =	vor.u32 v3, v4  }
0xbe: {  	v3 =	vperm.xlane v3, v0;
	_ =	sdelay $0x1  }
0xbf: {  	v3 =	vadd.s32 v1, v3;
	_ =	sdelay $0x3  }
0xc0: {  	s15 =	rddreg [dreg:$0xa]  }
0xc1: {  	[tilespmem:s15], [sflag:$0x5] =	stream.indirect_vreg.gather [hbm4b:s3+s2], $0x80, v3, vm0, $0xb8;
	[tilespmem:$0x19000] =	vst v63  }
0xc2: {  	_ =	swait.ge [sflag:s25], $0x2800  }
0xc3: {  	[sflag:s25] =	ssyncset.done $0x0  }
0xc4: {  	s14 =	simm.s32 @!p0 $0xE;
	s15 =	sadd.s32 $0x500, s6;
	[sflag:s25] =	ssyncadd.s32 $0xFFFFD800  }
0xc5: {  	[hbm4b:s15+s2] =	stream.linear.scatter [tilespmem:s12], [sflag:$0xA], $0x2800, $0x38;
	[tilespmem:$0x19000] =	vst v63  }
0xc6: {  	_ =	swait.ge @!p0 [sflag:s14], $0x2800  }
0xc7: {  	[sflag:s14] =	ssyncset.done @!p0 $0x0  }
0xc8: {  	[sflag:s14] =	ssyncadd.s32 @!p0 $0xFFFFD800  }
0xc9: {  	v3 =	vld [tilespmem:s21+$0xFFFFFFF0];
	_ =	sdelay $0x4  }
0xca: {  	v55 =	vshll.u32 v3, $0x1  }
0xcb: {  	v3 =	vand.u32 $0x7, v3;
	v4 =	vand.u32 $0xFFFFFFF0, v55  }
0xcc: {  	v3 =	vor.u32 v3, v4  }
0xcd: {  	v4 =	vperm.xlane v3, v0;
	_ =	sdelay $0x1  }
0xce: {  	v3 =	vperm.xlane v3, v2;
	v4 =	vadd.s32 v1, v4;
	_ =	sdelay $0x1  }
0xcf: {  	v3 =	vadd.s32 v1, v3;
	_ =	sdelay $0x2  }
0xd0: {  	[tilespmem:s26], [sflag:$0x6] =	stream.indirect_vreg.gather [hbm4b:s3+s2], $0x80, v4, vm0, $0xb8;
	[tilespmem:$0x19000] =	vst v63  }
0xd1: {  	s15 =	rddreg [dreg:$0xb]  }
0xd2: {  	[tilespmem:s15], [sflag:$0x6] =	stream.indirect_vreg.gather [hbm4b:s3+s2], $0x80, v3, vm0, $0xb8;
	[tilespmem:$0x19000] =	vst v63  }
0xd3: {  	v3 =	vld [tilespmem:s21+$0x0];
	_ =	sdelay $0x4  }
0xd4: {  	v56 =	vshll.u32 v3, $0x1  }
0xd5: {  	v3 =	vand.u32 $0x7, v3;
	v4 =	vand.u32 $0xFFFFFFF0, v56  }
0xd6: {  	v3 =	vor.u32 v3, v4  }
0xd7: {  	v4 =	vperm.xlane v3, v0;
	_ =	sdelay $0x1  }
0xd8: {  	v3 =	vperm.xlane v3, v2;
	v4 =	vadd.s32 v1, v4;
	_ =	sdelay $0x1  }
0xd9: {  	v3 =	vadd.s32 v1, v3;
	_ =	sdelay $0x1  }
0xda: {  	s14 =	rddreg [dreg:$0xc]  }
0xdb: {  	[tilespmem:s14], [sflag:$0x6] =	stream.indirect_vreg.gather [hbm4b:s3+s2], $0x80, v4, vm0, $0xb8;
	[tilespmem:$0x19000] =	vst v63  }
0xdc: {  	s15 =	rddreg [dreg:$0xd]  }
0xdd: {  	[tilespmem:s15], [sflag:$0x6] =	stream.indirect_vreg.gather [hbm4b:s3+s2], $0x80, v3, vm0, $0xb8;
	[tilespmem:$0x19000] =	vst v63  }
0xde: {  	v3 =	vld.msk [tilespmem:s21+$0x10], $0xff;
	_ =	sdelay $0x4  }
0xdf: {  	v57 =	vshll.u32 v3, $0x1  }
0xe0: {  	v3 =	vand.u32 $0x7, v3;
	v4 =	vand.u32 $0xFFFFFFF0, v57  }
0xe1: {  	v3 =	vor.u32 v3, v4  }
0xe2: {  	v3 =	vperm.xlane v3, v0;
	_ =	sdelay $0x1  }
0xe3: {  	v3 =	vadd.s32 v1, v3;
	_ =	sdelay $0x3  }
0xe4: {  	s15 =	rddreg [dreg:$0xe]  }
0xe5: {  	[tilespmem:s15], [sflag:$0x6] =	stream.indirect_vreg.gather [hbm4b:s3+s2], $0x80, v3, vm0, $0xb8;
	[tilespmem:$0x19000] =	vst v63  }
0xe6: {  	_ =	swait.ge [sflag:s28], $0x2800  }
0xe7: {  	p1 =	slt.u32 s4, $0x5;
	[sflag:s28] =	ssyncset.done $0x0  }
0xe8: {  	s14 =	simm.s32 @!p1 $0xF;
	s15 =	sadd.s32 $0xA00, s6;
	[sflag:s28] =	ssyncadd.s32 $0xFFFFD800  }
0xe9: {  	[hbm4b:s15+s2] =	stream.linear.scatter [tilespmem:s17], [sflag:$0xB], $0x2800, $0x38;
	[tilespmem:$0x19000] =	vst v63  }
0xea: {  	_ =	swait.ge @!p1 [sflag:s14], $0x2800  }
0xeb: {  	[sflag:s14] =	ssyncset.done @!p1 $0x0  }
0xec: {  	[sflag:s14] =	ssyncadd.s32 @!p1 $0xFFFFD800  }
0xed: {  	v3 =	vld [tilespmem:s21+$0x70];
	_ =	sdelay $0x4  }
0xee: {  	v58 =	vshll.u32 v3, $0x1  }
0xef: {  	v3 =	vand.u32 $0x7, v3;
	v4 =	vand.u32 $0xFFFFFFF0, v58  }
0xf0: {  	v3 =	vor.u32 v3, v4  }
0xf1: {  	v4 =	vperm.xlane v3, v0;
	_ =	sdelay $0x1  }
0xf2: {  	v3 =	vperm.xlane v3, v2;
	v4 =	vadd.s32 v1, v4;
	_ =	sdelay $0x1  }
0xf3: {  	v3 =	vadd.s32 v1, v3;
	_ =	sdelay $0x2  }
0xf4: {  	[tilespmem:s29], [sflag:$0x7] =	stream.indirect_vreg.gather [hbm4b:s3+s2], $0x80, v4, vm0, $0xb8;
	[tilespmem:$0x19000] =	vst v63  }
0xf5: {  	s15 =	rddreg [dreg:$0xf]  }
0xf6: {  	[tilespmem:s15], [sflag:$0x7] =	stream.indirect_vreg.gather [hbm4b:s3+s2], $0x80, v3, vm0, $0xb8;
	[tilespmem:$0x19000] =	vst v63  }
0xf7: {  	v3 =	vld [tilespmem:s21+$0x80];
	_ =	sdelay $0x4  }
0xf8: {  	v59 =	vshll.u32 v3, $0x1  }
0xf9: {  	v3 =	vand.u32 $0x7, v3;
	v4 =	vand.u32 $0xFFFFFFF0, v59  }
0xfa: {  	v3 =	vor.u32 v3, v4  }
0xfb: {  	v4 =	vperm.xlane v3, v0;
	_ =	sdelay $0x1  }
0xfc: {  	v3 =	vperm.xlane v3, v2;
	v4 =	vadd.s32 v1, v4;
	_ =	sdelay $0x1  }
0xfd: {  	v3 =	vadd.s32 v1, v3;
	_ =	sdelay $0x1  }
0xfe: {  	s14 =	rddreg [dreg:$0x10]  }
0xff: {  	[tilespmem:s14], [sflag:$0x7] =	stream.indirect_vreg.gather [hbm4b:s3+s2], $0x80, v4, vm0, $0xb8;
	[tilespmem:$0x19000] =	vst v63  }
0x100: {  	s15 =	rddreg [dreg:$0x11]  }
0x101: {  	[tilespmem:s15], [sflag:$0x7] =	stream.indirect_vreg.gather [hbm4b:s3+s2], $0x80, v3, vm0, $0xb8;
	[tilespmem:$0x19000] =	vst v63  }
0x102: {  	v3 =	vld.msk [tilespmem:s21+$0x90], $0xff;
	_ =	sdelay $0x4  }
0x103: {  	v60 =	vshll.u32 v3, $0x1  }
0x104: {  	v3 =	vand.u32 $0x7, v3;
	v4 =	vand.u32 $0xFFFFFFF0, v60  }
0x105: {  	v3 =	vor.u32 v3, v4  }
0x106: {  	v3 =	vperm.xlane v3, v0;
	_ =	sdelay $0x1  }
0x107: {  	v3 =	vadd.s32 v1, v3;
	_ =	sdelay $0x3  }
0x108: {  	s15 =	rddreg [dreg:$0x12]  }
0x109: {  	[tilespmem:s15], [sflag:$0x7] =	stream.indirect_vreg.gather [hbm4b:s3+s2], $0x80, v3, vm0, $0xb8;
	[tilespmem:$0x19000] =	vst v63  }
0x10a: {  	_ =	swait.ge [sflag:s30], $0x2800  }
0x10b: {  	[sflag:s30] =	ssyncset.done $0x0  }
0x10c: {  	s14 =	simm.s32 @!p0 $0x10;
	s15 =	sadd.s32 $0xF00, s6;
	[sflag:s30] =	ssyncadd.s32 $0xFFFFD800  }
0x10d: {  	[hbm4b:s15+s2] =	stream.linear.scatter [tilespmem:s22], [sflag:$0xC], $0x2800, $0x38;
	[tilespmem:$0x19000] =	vst v63  }
0x10e: {  	_ =	swait.ge @!p0 [sflag:s14], $0x2800  }
0x10f: {  	[sflag:s14] =	ssyncset.done @!p0 $0x0  }
0x110: {  	[sflag:s14] =	ssyncadd.s32 @!p0 $0xFFFFD800  }
0x111: {  	v3 =	vld [tilespmem:s21+$0xF0];
	_ =	sdelay $0x4  }
0x112: {  	v61 =	vshll.u32 v3, $0x1  }
0x113: {  	v3 =	vand.u32 $0x7, v3;
	v4 =	vand.u32 $0xFFFFFFF0, v61  }
0x114: {  	v3 =	vor.u32 v3, v4  }
0x115: {  	v4 =	vperm.xlane v3, v0;
	_ =	sdelay $0x1  }
0x116: {  	v3 =	vperm.xlane v3, v2;
	v4 =	vadd.s32 v1, v4;
	_ =	sdelay $0x1  }
0x117: {  	v3 =	vadd.s32 v1, v3;
	_ =	sdelay $0x2  }
0x118: {  	[tilespmem:s31], [sflag:$0x8] =	stream.indirect_vreg.gather [hbm4b:s3+s2], $0x80, v4, vm0, $0xb8;
	[tilespmem:$0x19000] =	vst v63  }
0x119: {  	s15 =	rddreg [dreg:$0x13]  }
0x11a: {  	[tilespmem:s15], [sflag:$0x8] =	stream.indirect_vreg.gather [hbm4b:s3+s2], $0x80, v3, vm0, $0xb8;
	[tilespmem:$0x19000] =	vst v63  }
0x11b: {  	v3 =	vld [tilespmem:s21+$0x100];
	_ =	sdelay $0x4  }
0x11c: {  	v62 =	vshll.u32 v3, $0x1  }
0x11d: {  	v3 =	vand.u32 $0x7, v3;
	v4 =	vand.u32 $0xFFFFFFF0, v62  }
0x11e: {  	v3 =	vor.u32 v3, v4  }
0x11f: {  	v4 =	vperm.xlane v3, v0;
	_ =	sdelay $0x1  }
0x120: {  	v3 =	vperm.xlane v3, v2;
	v4 =	vadd.s32 v1, v4;
	_ =	sdelay $0x1  }
0x121: {  	v3 =	vadd.s32 v1, v3;
	_ =	sdelay $0x1  }
0x122: {  	s14 =	rddreg [dreg:$0x14]  }
0x123: {  	[tilespmem:s14], [sflag:$0x8] =	stream.indirect_vreg.gather [hbm4b:s3+s2], $0x80, v4, vm0, $0xb8;
	[tilespmem:$0x19000] =	vst v63  }
0x124: {  	s15 =	rddreg [dreg:$0x15]  }
0x125: {  	[tilespmem:s15], [sflag:$0x8] =	stream.indirect_vreg.gather [hbm4b:s3+s2], $0x80, v3, vm0, $0xb8;
	[tilespmem:$0x19000] =	vst v63  }
0x126: {  	v3 =	vld.msk [tilespmem:s21+$0x110], $0xff;
	_ =	sdelay $0x4  }
0x127: {  	v63 =	vshll.u32 v3, $0x1  }
0x128: {  	v3 =	vand.u32 $0x7, v3;
	v4 =	vand.u32 $0xFFFFFFF0, v63  }
0x129: {  	v3 =	vor.u32 v3, v4  }
0x12a: {  	v3 =	vperm.xlane v3, v0;
	_ =	sdelay $0x1  }
0x12b: {  	v3 =	vadd.s32 v1, v3;
	_ =	sdelay $0x3  }
0x12c: {  	s15 =	rddreg [dreg:$0x16]  }
0x12d: {  	[tilespmem:s15], [sflag:$0x8] =	stream.indirect_vreg.gather [hbm4b:s3+s2], $0x80, v3, vm0, $0xb8;
	[tilespmem:$0x19000] =	vst v63  }
0x12e: {  	_ =	swait.ge [sflag:s1], $0x2800  }
0x12f: {  	[sflag:s1] =	ssyncset.done $0x0  }
0x130: {  	s15 =	sadd.s32 $0x1400, s6;
	[sflag:s1] =	ssyncadd.s32 $0xFFFFD800  }
0x131: {  	[hbm4b:s15+s2] =	stream.linear.scatter [tilespmem:s24], [sflag:$0xD], $0x2800, $0x38;
	[tilespmem:$0x19000] =	vst v63  }
0x132: {  	_ =	swait.ge [sflag:s0], $0x2800  }
0x133: {  	[sflag:s0] =	ssyncset.done $0x0  }
0x134: {  	p0 =	seq.s32 s5, $0x2F800;
	[sflag:s0] =	ssyncadd.s32 $0xFFFFD800  }
0x135: {  	v3 =	vld @!p0 [tilespmem:s21+$0x170];
	_ =	sdelay $0x4  }
0x136: {  	v4 =	vshll.u32 @!p0 v3, $0x1  }
0x137: {  	v5 =	vlaneseq.u32 @!p0;
	v3 =	vand.u32 @!p0 $0x7, v3;
	v4 =	vand.u32 @!p0 $0xFFFFFFF0, v4  }
0x138: {  	v6 =	vshrl.u32 @!p0 v5, $0x3;
	v3 =	vor.u32 @!p0 v3, v4;
	v4 =	vand.u32 @!p0 $0x7, v5  }
0x139: {  	v6 =	vmul.u32 @!p0 $0x8, v6;
	v7 =	vperm.xlane @!p0 v3, v4  }
0x13a: {  	v5 =	vor.u32 @!p0 $0x8, v5  }
0x13b: {  	v3 =	vperm.xlane @!p0 v3, v5;
	v7 =	vadd.s32 @!p0 v6, v7;
	_ =	sdelay $0x1  }
0x13c: {  	v3 =	vadd.s32 @!p0 v6, v3;
	_ =	sdelay $0x1  }
0x13d: {  	vm1 =	vmmov @!p0 $0xffff;
	s14 =	simm.s32 @!p0 $0x0;
	s15 =	simm.s32 @!p0 $0x5000  }
0x13e: {  	[tilespmem:s15], [sflag:$0x1] =	stream.indirect_vreg.gather @!p0 [hbm4b:s3+s14], $0x80, v7, vm1, $0xb8;
	[tilespmem:$0x19000] =	vst v63  }
0x13f: {  	s15 =	simm.s32 @!p0 $0x5800  }
0x140: {  	[tilespmem:s15], [sflag:$0x1] =	stream.indirect_vreg.gather @!p0 [hbm4b:s3+s14], $0x80, v3, vm1, $0xb8;
	[tilespmem:$0x19000] =	vst v63  }
0x141: {  	v3 =	vld @!p0 [tilespmem:s21+$0x180];
	_ =	sdelay $0x4  }
0x142: {  	v7 =	vshll.u32 @!p0 v3, $0x1  }
0x143: {  	v3 =	vand.u32 @!p0 $0x7, v3;
	v7 =	vand.u32 @!p0 $0xFFFFFFF0, v7  }
0x144: {  	v3 =	vor.u32 @!p0 v3, v7  }
0x145: {  	v7 =	vperm.xlane @!p0 v3, v4;
	_ =	sdelay $0x1  }
0x146: {  	v3 =	vperm.xlane @!p0 v3, v5;
	v7 =	vadd.s32 @!p0 v6, v7;
	_ =	sdelay $0x1  }
0x147: {  	v3 =	vadd.s32 @!p0 v6, v3;
	_ =	sdelay $0x1  }
0x148: {  	s15 =	simm.s32 @!p0 $0x6000  }
0x149: {  	[tilespmem:s15], [sflag:$0x1] =	stream.indirect_vreg.gather @!p0 [hbm4b:s3+s14], $0x80, v7, vm1, $0xb8;
	[tilespmem:$0x19000] =	vst v63  }
0x14a: {  	s15 =	simm.s32 @!p0 $0x6800  }
0x14b: {  	[tilespmem:s15], [sflag:$0x1] =	stream.indirect_vreg.gather @!p0 [hbm4b:s3+s14], $0x80, v3, vm1, $0xb8;
	[tilespmem:$0x19000] =	vst v63  }
0x14c: {  	v3 =	vld.msk @!p0 [tilespmem:s21+$0x190], $0xff;
	_ =	sdelay $0x4  }
0x14d: {  	v7 =	vshll.u32 @!p0 v3, $0x1  }
0x14e: {  	v3 =	vand.u32 @!p0 $0x7, v3;
	v7 =	vand.u32 @!p0 $0xFFFFFFF0, v7  }
0x14f: {  	v3 =	vor.u32 @!p0 v3, v7  }
0x150: {  	v3 =	vperm.xlane @!p0 v3, v4;
	_ =	sdelay $0x1  }
0x151: {  	v3 =	vadd.s32 @!p0 v6, v3;
	_ =	sdelay $0x3  }
0x152: {  	s15 =	simm.s32 @!p0 $0x7000  }
0x153: {  	[tilespmem:s15], [sflag:$0x1] =	stream.indirect_vreg.gather @!p0 [hbm4b:s3+s14], $0x80, v3, vm1, $0xb8;
	[tilespmem:$0x19000] =	vst v63  }
0x154: {  	_ =	swait.ge [sflag:s8], $0x2800  }
0x155: {  	[sflag:s8] =	ssyncset.done $0x0  }
0x156: {  	s15 =	sadd.s32 $0x1900, s6;
	[sflag:s8] =	ssyncadd.s32 $0xFFFFD800  }
0x157: {  	[hbm4b:s15+s2] =	stream.linear.scatter [tilespmem:s26], [sflag:$0xE], $0x2800, $0x38;
	[tilespmem:$0x19000] =	vst v63  }
0x158: {  	_ =	swait.ge [sflag:s9], $0x2800  }
0x159: {  	[sflag:s9] =	ssyncset.done $0x0  }
0x15a: {  	[sflag:s9] =	ssyncadd.s32 $0xFFFFD800  }
0x15b: {  	v3 =	vld @!p0 [tilespmem:s21+$0x1F0];
	_ =	sdelay $0x4  }
0x15c: {  	v7 =	vshll.u32 @!p0 v3, $0x1  }
0x15d: {  	v3 =	vand.u32 @!p0 $0x7, v3;
	v7 =	vand.u32 @!p0 $0xFFFFFFF0, v7  }
0x15e: {  	v3 =	vor.u32 @!p0 v3, v7  }
0x15f: {  	v7 =	vperm.xlane @!p0 v3, v4;
	_ =	sdelay $0x1  }
0x160: {  	v3 =	vperm.xlane @!p0 v3, v5;
	v7 =	vadd.s32 @!p0 v6, v7;
	_ =	sdelay $0x1  }
0x161: {  	v3 =	vadd.s32 @!p0 v6, v3;
	_ =	sdelay $0x1  }
0x162: {  	s15 =	simm.s32 @!p0 $0x7800  }
0x163: {  	[tilespmem:s15], [sflag:$0x2] =	stream.indirect_vreg.gather @!p0 [hbm4b:s3+s14], $0x80, v7, vm1, $0xb8;
	[tilespmem:$0x19000] =	vst v63  }
0x164: {  	s15 =	simm.s32 @!p0 $0x8000  }
0x165: {  	[tilespmem:s15], [sflag:$0x2] =	stream.indirect_vreg.gather @!p0 [hbm4b:s3+s14], $0x80, v3, vm1, $0xb8;
	[tilespmem:$0x19000] =	vst v63  }
0x166: {  	v3 =	vld @!p0 [tilespmem:s21+$0x200];
	_ =	sdelay $0x4  }
0x167: {  	v7 =	vshll.u32 @!p0 v3, $0x1  }
0x168: {  	v3 =	vand.u32 @!p0 $0x7, v3;
	v7 =	vand.u32 @!p0 $0xFFFFFFF0, v7  }
0x169: {  	v3 =	vor.u32 @!p0 v3, v7  }
0x16a: {  	v7 =	vperm.xlane @!p0 v3, v4;
	_ =	sdelay $0x1  }
0x16b: {  	v3 =	vperm.xlane @!p0 v3, v5;
	v7 =	vadd.s32 @!p0 v6, v7;
	_ =	sdelay $0x1  }
0x16c: {  	v3 =	vadd.s32 @!p0 v6, v3;
	_ =	sdelay $0x1  }
0x16d: {  	s15 =	simm.s32 @!p0 $0x8800  }
0x16e: {  	[tilespmem:s15], [sflag:$0x2] =	stream.indirect_vreg.gather @!p0 [hbm4b:s3+s14], $0x80, v7, vm1, $0xb8;
	[tilespmem:$0x19000] =	vst v63  }
0x16f: {  	s15 =	simm.s32 @!p0 $0x9000  }
0x170: {  	[tilespmem:s15], [sflag:$0x2] =	stream.indirect_vreg.gather @!p0 [hbm4b:s3+s14], $0x80, v3, vm1, $0xb8;
	[tilespmem:$0x19000] =	vst v63  }
0x171: {  	v3 =	vld.msk @!p0 [tilespmem:s21+$0x210], $0xff;
	_ =	sdelay $0x4  }
0x172: {  	v7 =	vshll.u32 @!p0 v3, $0x1  }
0x173: {  	v3 =	vand.u32 @!p0 $0x7, v3;
	v7 =	vand.u32 @!p0 $0xFFFFFFF0, v7  }
0x174: {  	v3 =	vor.u32 @!p0 v3, v7  }
0x175: {  	v3 =	vperm.xlane @!p0 v3, v4;
	_ =	sdelay $0x1  }
0x176: {  	v3 =	vadd.s32 @!p0 v6, v3;
	_ =	sdelay $0x3  }
0x177: {  	s15 =	simm.s32 @!p0 $0x9800  }
0x178: {  	[tilespmem:s15], [sflag:$0x2] =	stream.indirect_vreg.gather @!p0 [hbm4b:s3+s14], $0x80, v3, vm1, $0xb8;
	[tilespmem:$0x19000] =	vst v63  }
0x179: {  	_ =	swait.ge [sflag:s10], $0x2800  }
0x17a: {  	[sflag:s10] =	ssyncset.done $0x0  }
0x17b: {  	s15 =	sadd.s32 $0x1E00, s6;
	[sflag:s10] =	ssyncadd.s32 $0xFFFFD800  }
0x17c: {  	[hbm4b:s15+s2] =	stream.linear.scatter [tilespmem:s29], [sflag:$0xF], $0x2800, $0x38;
	[tilespmem:$0x19000] =	vst v63  }
0x17d: {  	_ =	swait.ge [sflag:s11], $0x2800  }
0x17e: {  	[sflag:s11] =	ssyncset.done $0x0  }
0x17f: {  	[sflag:s11] =	ssyncadd.s32 $0xFFFFD800  }
0x180: {  	v3 =	vld @!p0 [tilespmem:s21+$0x270];
	_ =	sdelay $0x4  }
0x181: {  	v7 =	vshll.u32 @!p0 v3, $0x1  }
0x182: {  	v3 =	vand.u32 @!p0 $0x7, v3;
	v7 =	vand.u32 @!p0 $0xFFFFFFF0, v7  }
0x183: {  	v3 =	vor.u32 @!p0 v3, v7  }
0x184: {  	v7 =	vperm.xlane @!p0 v3, v4;
	_ =	sdelay $0x1  }
0x185: {  	v3 =	vperm.xlane @!p0 v3, v5;
	v7 =	vadd.s32 @!p0 v6, v7;
	_ =	sdelay $0x1  }
0x186: {  	v3 =	vadd.s32 @!p0 v6, v3;
	_ =	sdelay $0x1  }
0x187: {  	s15 =	simm.s32 @!p0 $0xA000  }
0x188: {  	[tilespmem:s15], [sflag:$0x3] =	stream.indirect_vreg.gather @!p0 [hbm4b:s3+s14], $0x80, v7, vm1, $0xb8;
	[tilespmem:$0x19000] =	vst v63  }
0x189: {  	s15 =	simm.s32 @!p0 $0xA800  }
0x18a: {  	[tilespmem:s15], [sflag:$0x3] =	stream.indirect_vreg.gather @!p0 [hbm4b:s3+s14], $0x80, v3, vm1, $0xb8;
	[tilespmem:$0x19000] =	vst v63  }
0x18b: {  	v3 =	vld @!p0 [tilespmem:s21+$0x280];
	_ =	sdelay $0x4  }
0x18c: {  	v7 =	vshll.u32 @!p0 v3, $0x1  }
0x18d: {  	v3 =	vand.u32 @!p0 $0x7, v3;
	v7 =	vand.u32 @!p0 $0xFFFFFFF0, v7  }
0x18e: {  	v3 =	vor.u32 @!p0 v3, v7  }
0x18f: {  	v7 =	vperm.xlane @!p0 v3, v4;
	_ =	sdelay $0x1  }
0x190: {  	v3 =	vperm.xlane @!p0 v3, v5;
	v7 =	vadd.s32 @!p0 v6, v7;
	_ =	sdelay $0x1  }
0x191: {  	v3 =	vadd.s32 @!p0 v6, v3;
	_ =	sdelay $0x1  }
0x192: {  	s15 =	simm.s32 @!p0 $0xB000  }
0x193: {  	[tilespmem:s15], [sflag:$0x3] =	stream.indirect_vreg.gather @!p0 [hbm4b:s3+s14], $0x80, v7, vm1, $0xb8;
	[tilespmem:$0x19000] =	vst v63  }
0x194: {  	s15 =	simm.s32 @!p0 $0xB800  }
0x195: {  	[tilespmem:s15], [sflag:$0x3] =	stream.indirect_vreg.gather @!p0 [hbm4b:s3+s14], $0x80, v3, vm1, $0xb8;
	[tilespmem:$0x19000] =	vst v63  }
0x196: {  	v3 =	vld.msk @!p0 [tilespmem:s21+$0x290], $0xff;
	_ =	sdelay $0x4  }
0x197: {  	v5 =	vshll.u32 @!p0 v3, $0x1  }
0x198: {  	v3 =	vand.u32 @!p0 $0x7, v3;
	v5 =	vand.u32 @!p0 $0xFFFFFFF0, v5  }
0x199: {  	v3 =	vor.u32 @!p0 v3, v5  }
0x19a: {  	v3 =	vperm.xlane @!p0 v3, v4;
	_ =	sdelay $0x1  }
0x19b: {  	v3 =	vadd.s32 @!p0 v6, v3;
	_ =	sdelay $0x3  }
0x19c: {  	s5 =	sadd.s32 $0x2800, s5;
	s15 =	simm.s32 @!p0 $0xC000  }
0x19d: {  	[tilespmem:s15], [sflag:$0x3] =	stream.indirect_vreg.gather @!p0 [hbm4b:s3+s14], $0x80, v3, vm1, $0xb8;
	[tilespmem:$0x19000] =	vst v63  }
0x19e: {  	p0 =	sne.s32 s5, $0x32000  }
.Ltmp0:
0x19f: {  	_ = 	snop;
	(pc) =	sbr.rel @p0 .LBB2_2-.Ltmp0, $4  }
0x1a0: {  	_ =	swait.ge [sflag:s13], $0x2800  }
0x1a1: {  	s4 =	sadd.s32 $0x8, s4;
	[sflag:s13] =	ssyncset.done $0x0  }
0x1a2: {  	s6 =	sadd.s32 $0x2300, s6;
	s21 =	sadd.s32 $0x400, s21;
	[sflag:s13] =	ssyncadd.s32 $0xFFFFD800  }
0x1a3: {  	[hbm4b:s6+s2] =	stream.linear.scatter [tilespmem:s31], [sflag:$0x10], $0x2800, $0x38;
	[tilespmem:$0x19000] =	vst v63  }
0x1a4: {  	s4 =	simm.s32 $0xC  }
0x1a5: {  	_ =	swait.ge [sflag:s4], $0x2800  }
0x1a6: {  	[sflag:s4] =	ssyncset.done $0x0  }
0x1a7: {  	s15 =	simm.s32 $0xD;
	[sflag:s4] =	ssyncadd.s32 $0xFFFFD800  }
0x1a8: {  	_ =	swait.ge [sflag:s15], $0x2800  }
0x1a9: {  	[sflag:s15] =	ssyncset.done $0x0  }
0x1aa: {  	[sflag:s15] =	ssyncadd.s32 $0xFFFFD800  }
0x1ab: {  	_ =	swait.ge [sflag:s16], $0x2800  }
0x1ac: {  	[sflag:s16] =	ssyncset.done $0x0  }
0x1ad: {  	[sflag:s16] =	ssyncadd.s32 $0xFFFFD800  }
0x1ae: {  	_ =	swait.ge [sflag:s18], $0x2800  }
0x1af: {  	[sflag:s18] =	ssyncset.done $0x0  }
0x1b0: {  	[sflag:s18] =	ssyncadd.s32 $0xFFFFD800  }
0x1b1: {  	_ =	swait.ge [sflag:s19], $0x2800  }
0x1b2: {  	s20 =	sadd.s32 $0x1, s20;
	s21 =	rddreg [dreg:$0x18]  }
0x1b3: {  	p0 =	sne.s32 s20, s21  }
.Ltmp1:
0x1b4: {  	_ = 	snop;
	(pc) =	sbr.rel @p0 .LBB2_1-.Ltmp1, $3  }
0x1b5: {  	_ =	sdelay $0x1  }
0x1b6: {  	[sflag:s19] =	ssyncset.done $0x0  }
0x1b7: {  	[sflag:s19] =	ssyncadd.s32 $0xFFFFD800  }
0x1b8: {  	_ =	sfence.sel $0x180000  }
0x1b9: {  	[bflag:$0x0] =	sbarrier.arrive $0xFFFF  }
0x1ba: {  	_ =	strace $0x90000047  }
0x1bb: {  	s0 =	stileid.u32;
	[bflag:$0x2] =	sbarrier.arrive $0xFFFF  }
0x1bc: {  	p0 =	sne.s32 s0, $0x0;
	s0 =	rddreg [dreg:$0x1]  }
0x1bd: {  	s0 =	sadd.s32 @!p0 $0x100000, s0  }
0x1be: {  	[sflag:s0] =	ssyncadd.tile.s32 @!p0 $0x1;
	_ =	shalt  }
.Lfunc_end2:
_tile_overlayer_lowered:
.L_overlay_start_2:
0x1bf: {  	(tag) =	ssettag $0x2  }
0x1c0: {  	s0 =	rddreg [dreg:$0x0];
	s2 =	stileid.u32  }
0x1c1: {  	s1 =	rddreg [dreg:$0x1];
	p0 =	sne.s32 s2, $0x0  }
0x1c2: {  	s3 =	rddreg [dreg:$0x2];
	[bflag:$0x3] =	sbarrier.arrive $0xFFFF;
	s2 =	simm.s32 @!p0 $0x1C11  }
0x1c3: {  	[timem:s3], [sflag:s2] =	dma.local @!p0 [hbm:s0], s1  }
0x1c4: {  	s0 =	simm.s32 @!p0 $0x11  }
0x1c5: {  	_ =	swait.ge @!p0 [sflag:s0], s1  }
0x1c6: {  	s1 =	ssub.s32 @!p0 $0x0, s1;
	[sflag:s0] =	ssyncset.done @!p0 $0x0  }
0x1c7: {  	[sflag:s0] =	ssyncadd.s32 @!p0 s1  }
0x1c8: {  	[bflag:$0x3] =	sbarrier.arrive $0xFFFF  }
0x1c9: {  	_ =	shalt  }

</sc_bundles>
